<compile_context>
chip_gen: v7x
topology: tpu7x:2x2x1
jax: 0.10.2.dev20260603
libtpu: 0.0.44.dev20260713+nightly
codegen_flags: <defaults>
</compile_context>

<pallas_src>
import functools

import jax
import jax.numpy as jnp
from jax import lax
from jax.experimental import pallas as pl
from jax.experimental.pallas import tpu as pltpu
from jax.experimental.pallas import tpu_sc as plsc

L = 2; H = 12; G = 2; E = 4; NE = G * E; EPS = 1e-5
V = 32000; SMAX = 2048; D = 768; HID = 1024; C = 32000
S = SMAX
DH = D // H
BF = jnp.bfloat16

_dot = functools.partial(jax.lax.dot_general, preferred_element_type=jnp.float32)


def _bdot(a, b, dims):
    return jax.lax.dot_general(a.astype(BF), b.astype(BF), dims,
                               preferred_element_type=jnp.float32)


def _ln_rows(x):
    m = x.mean(-1, keepdims=True)
    v = ((x - m) ** 2).mean(-1, keepdims=True)
    return (x - m) * jax.lax.rsqrt(v + EPS)


def _sc_gather(tok_emb, x_flat):
    info = plsc.get_sparse_core_info()
    nw = info.num_cores * info.num_subcores
    bpw = S // nw
    mesh = plsc.VectorSubcoreMesh(core_axis_name="c", subcore_axis_name="s")

    @functools.partial(
        pl.kernel, mesh=mesh,
        out_type=jax.ShapeDtypeStruct((S, D), jnp.float32),
        scratch_types=[
            pltpu.VMEM((bpw,), jnp.int32),
            pltpu.VMEM((bpw, D), jnp.float32),
            pltpu.SemaphoreType.DMA,
        ],
    )
    def k(table_hbm, idx_hbm, out_hbm, idx_v, rows_v, sem):
        wid = lax.axis_index("s") * info.num_cores + lax.axis_index("c")
        base = wid * bpw
        pltpu.sync_copy(idx_hbm.at[pl.ds(base, bpw)], idx_v)
        pltpu.async_copy(table_hbm.at[idx_v], rows_v, sem).wait()
        pltpu.sync_copy(rows_v, out_hbm.at[pl.ds(base, bpw)])

    return k(tok_emb, x_flat)


def _ln_qkv_add_body(a_ref, b_ref, wi_ref, h_ref, out_ref):
    h = a_ref[...] + b_ref[...]
    h_ref[...] = h
    hn = _ln_rows(h)
    out_ref[...] = _bdot(hn, wi_ref[...], (((1,), (1,)), ((), ()))).astype(BF)


def _ln_qkv_add(a, b, wi, ts=512):
    return pl.pallas_call(
        _ln_qkv_add_body,
        grid=(S // ts,),
        in_specs=[
            pl.BlockSpec((ts, D), lambda t: (t, 0)),
            pl.BlockSpec((ts, D), lambda t: (t, 0)),
            pl.BlockSpec((3 * D, D), lambda t: (0, 0)),
        ],
        out_specs=[
            pl.BlockSpec((ts, D), lambda t: (t, 0)),
            pl.BlockSpec((ts, 3 * D), lambda t: (t, 0)),
        ],
        out_shape=[
            jax.ShapeDtypeStruct((S, D), jnp.float32),
            jax.ShapeDtypeStruct((S, 3 * D), BF),
        ],
    )(a, b, wi)


def _attn_body(q_ref, k_ref, v_ref, o_ref, *, tq):
    t = pl.program_id(1)
    q2 = q_ref[...] * jnp.bfloat16(0.125)
    lrows = lax.broadcasted_iota(jnp.int32, (tq, tq), 0)
    lcols = lax.broadcasted_iota(jnp.int32, (tq, tq), 1)
    diag_neg = jnp.where(lcols <= lrows, 0.0, -1e9)
    q_a, q_b = q2[:, :DH], q2[:, DH:]

    def one_head(q, k, v, o, d, masked):
        s = _bdot(q, k, (((1,), (1,)), ((), ()))) + masked
        p = jnp.exp(s)
        d = d + p.sum(-1, keepdims=True)
        o = o + _bdot(p, v, (((1,), (0,)), ((), ())))
        return o, d

    def chunk(c, carry):
        o_a, o_b, d_a, d_b = carry
        k2 = k_ref[pl.ds(c * tq, tq), :]
        v2 = v_ref[pl.ds(c * tq, tq), :]
        o_a, d_a = one_head(q_a, k2[:, :DH], v2[:, :DH], o_a, d_a, 0.0)
        o_b, d_b = one_head(q_b, k2[:, DH:], v2[:, DH:], o_b, d_b, 0.0)
        return o_a, o_b, d_a, d_b

    z_o = jnp.zeros((tq, DH), jnp.float32)
    z_d = jnp.zeros((tq, 1), jnp.float32)
    o_a, o_b, d_a, d_b = lax.fori_loop(0, t, chunk, (z_o, z_o, z_d, z_d))
    k2 = k_ref[pl.ds(t * tq, tq), :]
    v2 = v_ref[pl.ds(t * tq, tq), :]
    o_a, d_a = one_head(q_a, k2[:, :DH], v2[:, :DH], o_a, d_a, diag_neg)
    o_b, d_b = one_head(q_b, k2[:, DH:], v2[:, DH:], o_b, d_b, diag_neg)
    o_ref[...] = jnp.concatenate([o_a / d_a, o_b / d_b], axis=1).astype(BF)


def _attn(qkv, tq=512):
    hpn = H // 2
    return pl.pallas_call(
        functools.partial(_attn_body, tq=tq),
        grid=(hpn, S // tq),
        in_specs=[
            pl.BlockSpec((tq, 2 * DH), lambda p, t: (t, p)),
            pl.BlockSpec((S, 2 * DH), lambda p, t: (0, hpn + p)),
            pl.BlockSpec((S, 2 * DH), lambda p, t: (0, 2 * hpn + p)),
        ],
        out_specs=pl.BlockSpec((tq, 2 * DH), lambda p, t: (t, p)),
        out_shape=jax.ShapeDtypeStruct((S, D), BF),
    )(qkv, qkv, qkv)


def _router_body(h_ref, o_ref, wo_ref, grw_ref, erw_ref,
                 h2_ref, hn_ref, w_ref):
    h2 = h_ref[...] + _bdot(o_ref[...], wo_ref[...], (((1,), (1,)), ((), ())))
    h2_ref[...] = h2
    hn = _ln_rows(h2)
    hn_ref[...] = hn.astype(BF)
    gl = _dot(hn, grw_ref[...], (((1,), (1,)), ((), ())))
    el = _dot(hn, erw_ref[...], (((1,), (1,)), ((), ())))
    pg = jnp.exp(gl)
    pg = pg / pg.sum(-1, keepdims=True)
    el0, el1 = el[:, :E], el[:, E:]
    def _sm(z):
        z = jnp.exp(z)
        return z / z.sum(-1, keepdims=True)
    w_ref[...] = jnp.concatenate(
        [pg[:, 0:1] * _sm(el0), pg[:, 1:2] * _sm(el1)], axis=1)


def _router(h, o, wo, grw, erw, ts=512):
    return pl.pallas_call(
        _router_body,
        grid=(S // ts,),
        in_specs=[
            pl.BlockSpec((ts, D), lambda t: (t, 0)),
            pl.BlockSpec((ts, D), lambda t: (t, 0)),
            pl.BlockSpec((D, D), lambda t: (0, 0)),
            pl.BlockSpec((G, D), lambda t: (0, 0)),
            pl.BlockSpec((NE, D), lambda t: (0, 0)),
        ],
        out_specs=[
            pl.BlockSpec((ts, D), lambda t: (t, 0)),
            pl.BlockSpec((ts, D), lambda t: (t, 0)),
            pl.BlockSpec((ts, NE), lambda t: (t, 0)),
        ],
        out_shape=[
            jax.ShapeDtypeStruct((S, D), jnp.float32),
            jax.ShapeDtypeStruct((S, D), BF),
            jax.ShapeDtypeStruct((S, NE), jnp.float32),
        ],
    )(h, o, wo, grw, erw)


def _experts_body(hn_ref, w_ref, ew1_ref, ew2_ref, out_ref, *, ts):
    e = pl.program_id(0)
    x2 = hn_ref[...]
    h1 = jax.nn.gelu(_bdot(x2, ew1_ref[0],
                           (((1,), (1,)), ((), ()))).astype(BF))
    oe = _bdot(h1, ew2_ref[0], (((1,), (1,)), ((), ())))
    lanes = lax.broadcasted_iota(jnp.int32, (ts, NE), 1)
    we = jnp.sum(jnp.where(lanes == e, w_ref[...], 0.0), axis=1, keepdims=True)

    @pl.when(e == 0)
    def _():
        out_ref[...] = we * oe

    @pl.when(e > 0)
    def _():
        out_ref[...] += we * oe


def _experts(hn, w, ew1, ew2, ts=S):
    return pl.pallas_call(
        functools.partial(_experts_body, ts=ts),
        grid=(NE,),
        in_specs=[
            pl.BlockSpec((ts, D), lambda e: (0, 0)),
            pl.BlockSpec((ts, NE), lambda e: (0, 0)),
            pl.BlockSpec((1, HID, D), lambda e: (e, 0, 0)),
            pl.BlockSpec((1, D, HID), lambda e: (e, 0, 0)),
        ],
        out_specs=pl.BlockSpec((ts, D), lambda e: (0, 0)),
        out_shape=jax.ShapeDtypeStruct((S, D), jnp.float32),
    )(hn, w, ew1, ew2)


def _lnmean_add_body(a_ref, b_ref, out_ref):
    out_ref[...] = _ln_rows(a_ref[...] + b_ref[...]).mean(0, keepdims=True)


def _lnmean_add(a, b):
    return pl.pallas_call(
        _lnmean_add_body,
        grid=(1,),
        in_specs=[
            pl.BlockSpec((S, D), lambda i: (0, 0)),
            pl.BlockSpec((S, D), lambda i: (0, 0)),
        ],
        out_specs=pl.BlockSpec((1, D), lambda i: (0, 0)),
        out_shape=jax.ShapeDtypeStruct((1, D), jnp.float32),
    )(a, b)


def _head_body(m_ref, w_ref, out_ref):
    out_ref[...] = _dot(m_ref[...], w_ref[...], (((1,), (1,)), ((), ())))


def _head(mh, head_w, ct=3200):
    return pl.pallas_call(
        _head_body,
        grid=(C // ct,),
        in_specs=[
            pl.BlockSpec((1, D), lambda c: (0, 0)),
            pl.BlockSpec((ct, D), lambda c: (c, 0)),
        ],
        out_specs=pl.BlockSpec((1, ct), lambda c: (0, c)),
        out_shape=jax.ShapeDtypeStruct((1, C), jnp.float32),
    )(mh, head_w)


def kernel(tok_emb, pos_emb, attn_wi, attn_bi, attn_wo, attn_bo,
           ln1_g, ln1_b, ln2_g, ln2_b, grw, grb, erw, erb,
           ew1, eb1, ew2, eb2, lnf_g, lnf_b, head_w, head_b, x):
    a = _sc_gather(tok_emb, x.reshape(S).astype(jnp.int32))
    b = pos_emb
    for l in range(L):
        h, qkv = _ln_qkv_add(a, b, attn_wi[l])
        o = _attn(qkv)
        h2, hn2, w = _router(h, o, attn_wo[l], grw[l], erw[l])
        moe = _experts(hn2, w, ew1[l], ew2[l])
        a, b = h2, moe
    mh = _lnmean_add(a, b)
    return _head(mh, head_w)

# --- scband reference (transcript-rebuilt; emitter-appended) ---
"""Pipeline reference for scband-hierarchical-mo-elm-39857296506976 (READ-ONLY COPY).

The authoritative reference and input builder live on the scoring server;
editing this copy changes nothing except your own understanding.
"""

import jax, jax.numpy as jnp
import numpy as np

L = 2; H = 12; G = 2; E = 4; NE = G * E; TEMP = 1.0; EPS = 1e-5
V = 32000; SMAX = 2048; D = 768; HID = 1024; C = 32000


def _ln(x, g, b):
    m = x.mean(-1, keepdims=True)
    v = ((x - m) ** 2).mean(-1, keepdims=True)
    return (x - m) / jnp.sqrt(v + EPS) * g + b


def _mha(x, wi, bi, wo, bo, mask):
    B, S, Dm = x.shape
    dh = Dm // H
    qkv = x @ wi.T + bi
    q, k, v = jnp.split(qkv, 3, axis=-1)
    def sp(t):
        return t.reshape(B, S, H, dh).transpose(0, 2, 1, 3)
    q, k, v = sp(q), sp(k), sp(v)
    s = (q @ k.transpose(0, 1, 3, 2)) / jnp.sqrt(dh) + mask
    a = jax.nn.softmax(s, axis=-1)
    o = (a @ v).transpose(0, 2, 1, 3).reshape(B, S, Dm)
    return o @ wo.T + bo


def _moe(x2, grw, grb, erw, erb, ew1, eb1, ew2, eb2):
    # hierarchical routing: group softmax x within-group expert softmax
    p = jax.nn.softmax((x2 @ grw.T + grb) / TEMP, axis=-1)            # [T, G]
    el = ((x2 @ erw.T + erb) / TEMP).reshape(-1, G, E)
    q = jax.nn.softmax(el, axis=-1)                                    # [T, G, E]
    w = (p[:, :, None] * q).reshape(-1, NE)                            # [T, NE]
    h = jax.nn.gelu(jnp.einsum('td,ehd->teh', x2, ew1) + eb1)          # [T, NE, HID]
    o = jnp.einsum('teh,edh->ted', h, ew2) + eb2                       # [T, NE, D]
    return (w[:, :, None] * o).sum(1)


def setup_inputs(seed: int = 0):
    key = jax.random.key(seed)
    ks = jax.random.split(key, 16)
    s = 0.02
    inp = {}
    inp['tok_emb'] = jax.random.normal(ks[0], (V, D), jnp.float32) * s
    inp['pos_emb'] = jax.random.normal(ks[1], (SMAX, D), jnp.float32) * s
    inp['attn_wi'] = jax.random.normal(ks[2], (L, 3 * D, D), jnp.float32) * s
    inp['attn_bi'] = jnp.zeros((L, 3 * D), jnp.float32)
    inp['attn_wo'] = jax.random.normal(ks[3], (L, D, D), jnp.float32) * s
    inp['attn_bo'] = jnp.zeros((L, D), jnp.float32)
    inp['ln1_g'] = jnp.ones((L, D), jnp.float32)
    inp['ln1_b'] = jnp.zeros((L, D), jnp.float32)
    inp['ln2_g'] = jnp.ones((L, D), jnp.float32)
    inp['ln2_b'] = jnp.zeros((L, D), jnp.float32)
    inp['grw'] = jax.random.normal(ks[4], (L, G, D), jnp.float32) * s
    inp['grb'] = jnp.zeros((L, G), jnp.float32)
    inp['erw'] = jax.random.normal(ks[5], (L, NE, D), jnp.float32) * s
    inp['erb'] = jnp.zeros((L, NE), jnp.float32)
    inp['ew1'] = jax.random.normal(ks[6], (L, NE, HID, D), jnp.float32) * s
    inp['eb1'] = jnp.zeros((L, NE, HID), jnp.float32)
    inp['ew2'] = jax.random.normal(ks[7], (L, NE, D, HID), jnp.float32) * s
    inp['eb2'] = jnp.zeros((L, NE, D), jnp.float32)
    inp['lnf_g'] = jnp.ones((D,), jnp.float32)
    inp['lnf_b'] = jnp.zeros((D,), jnp.float32)
    inp['head_w'] = jax.random.normal(ks[8], (C, D), jnp.float32) * s
    inp['head_b'] = jnp.zeros((C,), jnp.float32)
    inp['x'] = jax.random.randint(ks[9], (1, SMAX), 0, V, dtype=jnp.int32)
    return inp


def reference(tok_emb, pos_emb, attn_wi, attn_bi, attn_wo, attn_bo, ln1_g, ln1_b, ln2_g, ln2_b, grw, grb, erw, erb, ew1, eb1, ew2, eb2, lnf_g, lnf_b, head_w, head_b, x):
    B, S = x.shape
    h = tok_emb[x] + pos_emb[jnp.arange(S)][None]
    mask = jnp.where(jnp.tril(jnp.ones((S, S), bool)), 0.0, -1e9)[None, None]
    for l in range(L):
        hn = _ln(h, ln1_g[l], ln1_b[l])
        h = h + _mha(hn, attn_wi[l], attn_bi[l], attn_wo[l], attn_bo[l], mask)
        hn = _ln(h, ln2_g[l], ln2_b[l])
        x2 = hn.reshape(B * S, D)
        moe = _moe(x2, grw[l], grb[l], erw[l], erb[l], ew1[l], eb1[l], ew2[l], eb2[l])
        h = h + moe.reshape(B, S, D)
    h = _ln(h, lnf_g, lnf_b)
    h = h.mean(1)
    return h @ head_w.T + head_b

if __name__ == "__main__":
    import jax
    _d = setup_inputs()
    print(jax.jit(kernel)(*tuple(_d.values())))

</pallas_src>

<mosaic_0001>
#map = affine_map<(d0, d1) -> (0, 0)>
#map1 = affine_map<(d0, d1) -> (0)>
module attributes {stable_mosaic.version = 14 : i64} {
  func.func @k(%arg0: i32, %arg1: i32, %arg2: memref<32000x768xf32, #tpu.memory_space<hbm>>, %arg3: memref<2048xi32, #tpu.memory_space<hbm>>, %arg4: memref<2048x768xf32, #tpu.memory_space<hbm>>, %arg5: memref<64xi32, #tpu.memory_space<vmem>>, %arg6: memref<64x768xf32, #tpu.memory_space<vmem>>, %arg7: memref<!tpu.dma_semaphore, #tpu.memory_space<semaphore_mem>>) attributes {dimension_semantics = [#tpu.dimension_semantics<core_parallel>, #tpu.dimension_semantics<subcore_parallel>], iteration_bounds = array<i64: 2, 16>, scalar_prefetch = 0 : i64, scratch_operands = 3 : i64, tpu.core_type = #tpu.core_type<sc_vector_subcore>, window_params = [{transform_indices = #map}, {transform_indices = #map1}, {transform_indices = #map}]} {
    %mul3A = arith.constant 2 : i32
    %mul3A_0 = arith.muli %arg1, %mul3A : i32
    %add3A = arith.addi %mul3A_0, %arg0 : i32
    %mul3A_1 = arith.constant 64 : i32
    %mul3A_2 = arith.muli %add3A, %mul3A_1 : i32
    "tpu.region"() ({
      %run_scoped3A = tpu.sem_alloc : memref<!tpu.dma_semaphore, #tpu.memory_space<semaphore_mem>>
      %dma_start3A_7 = tpu.memref_slice %arg3[%mul3A_2] : memref<2048xi32, #tpu.memory_space<hbm>> -> memref<64xi32, #tpu.memory_space<hbm>>
      %dma_start3A_8 = tpu.memref_slice %arg3[%mul3A_2] : memref<2048xi32, #tpu.memory_space<hbm>> -> memref<64xi32, #tpu.memory_space<hbm>>
      tpu.enqueue_dma source(%dma_start3A_8 : memref<64xi32, #tpu.memory_space<hbm>>) target(%arg5 : memref<64xi32, #tpu.memory_space<vmem>>) target_semaphore(%run_scoped3A : memref<!tpu.dma_semaphore, #tpu.memory_space<semaphore_mem>>)
      %dma_wait3A_9 = tpu.memref_slice %arg3[%mul3A_2] : memref<2048xi32, #tpu.memory_space<hbm>> -> memref<64xi32, #tpu.memory_space<hbm>>
      %dma_wait3A_10 = tpu.memref_slice %arg3[%mul3A_2] : memref<2048xi32, #tpu.memory_space<hbm>> -> memref<64xi32, #tpu.memory_space<hbm>>
      tpu.wait_dma2 semaphore(%run_scoped3A : memref<!tpu.dma_semaphore, #tpu.memory_space<semaphore_mem>>) src(%dma_wait3A_10 : memref<64xi32, #tpu.memory_space<hbm>>) dst(%arg5 : memref<64xi32, #tpu.memory_space<vmem>>)
      tpu.yield
    }) : () -> ()
    %dma_start3A = arith.constant 0 : i32
    %dma_start3A_3 = arith.constant 0 : i32
    %dma_start3A_4 = tpu.memref_slice %arg2[%dma_start3A, %dma_start3A_3] : memref<32000x768xf32, #tpu.memory_space<hbm>> -> memref<32000x768xf32, #tpu.memory_space<hbm>>
    tpu.enqueue_indirect_dma source(%dma_start3A_4 : memref<32000x768xf32, #tpu.memory_space<hbm>>) target(%arg6 : memref<64x768xf32, #tpu.memory_space<vmem>>) offsets(%arg5 : memref<64xi32, #tpu.memory_space<vmem>>) semaphore(%arg7 : memref<!tpu.dma_semaphore, #tpu.memory_space<semaphore_mem>>)
    %dma_wait3A = arith.constant 0 : i32
    %dma_wait3A_5 = arith.constant 0 : i32
    %dma_wait3A_6 = tpu.memref_slice %arg2[%dma_wait3A, %dma_wait3A_5] : memref<32000x768xf32, #tpu.memory_space<hbm>> -> memref<32000x768xf32, #tpu.memory_space<hbm>>
    tpu.wait_indirect_dma semaphore(%arg7 : memref<!tpu.dma_semaphore, #tpu.memory_space<semaphore_mem>>) src(%dma_wait3A_6 : memref<32000x768xf32, #tpu.memory_space<hbm>>) dst(%arg6 : memref<64x768xf32, #tpu.memory_space<vmem>>)
    "tpu.region"() ({
      %run_scoped3A = tpu.sem_alloc : memref<!tpu.dma_semaphore, #tpu.memory_space<semaphore_mem>>
      %dma_start3A_7 = arith.constant 0 : i32
      %dma_start3A_8 = tpu.memref_slice %arg4[%mul3A_2, %dma_start3A_7] : memref<2048x768xf32, #tpu.memory_space<hbm>> -> memref<64x768xf32, #tpu.memory_space<hbm>>
      %dma_start3A_9 = arith.constant 0 : i32
      %dma_start3A_10 = tpu.memref_slice %arg4[%mul3A_2, %dma_start3A_9] : memref<2048x768xf32, #tpu.memory_space<hbm>> -> memref<64x768xf32, #tpu.memory_space<hbm>>
      tpu.enqueue_dma source(%arg6 : memref<64x768xf32, #tpu.memory_space<vmem>>) target(%dma_start3A_10 : memref<64x768xf32, #tpu.memory_space<hbm>>) target_semaphore(%run_scoped3A : memref<!tpu.dma_semaphore, #tpu.memory_space<semaphore_mem>>)
      %dma_wait3A_11 = arith.constant 0 : i32
      %dma_wait3A_12 = tpu.memref_slice %arg4[%mul3A_2, %dma_wait3A_11] : memref<2048x768xf32, #tpu.memory_space<hbm>> -> memref<64x768xf32, #tpu.memory_space<hbm>>
      %dma_wait3A_13 = arith.constant 0 : i32
      %dma_wait3A_14 = tpu.memref_slice %arg4[%mul3A_2, %dma_wait3A_13] : memref<2048x768xf32, #tpu.memory_space<hbm>> -> memref<64x768xf32, #tpu.memory_space<hbm>>
      tpu.wait_dma2 semaphore(%run_scoped3A : memref<!tpu.dma_semaphore, #tpu.memory_space<semaphore_mem>>) src(%arg6 : memref<64x768xf32, #tpu.memory_space<vmem>>) dst(%dma_wait3A_14 : memref<64x768xf32, #tpu.memory_space<hbm>>)
      tpu.yield
    }) : () -> ()
    return
  }
}

module attributes {stable_mosaic.version = 14 : i64} {
  func.func @_ln_qkv_add_body(%arg0: i32, %arg1: memref<512x768xf32, #tpu.memory_space<vmem>>, %arg2: memref<512x768xf32, #tpu.memory_space<vmem>>, %arg3: memref<2304x768xf32, #tpu.memory_space<vmem>>, %arg4: memref<512x768xf32, #tpu.memory_space<vmem>>, %arg5: memref<512x2304xbf16, #tpu.memory_space<vmem>>) attributes {dimension_semantics = [#tpu.dimension_semantics<arbitrary>], iteration_bounds = array<i64: 4>, scalar_prefetch = 0 : i64, scratch_operands = 0 : i64, tpu.core_type = #tpu.core_type<tc>, window_params = [{transform_indices = @transform_0, window_bounds = array<i64: 512, 768>}, {transform_indices = @transform_1, window_bounds = array<i64: 512, 768>}, {pipeline_mode = #tpu.pipeline_mode<synchronous>, transform_indices = @transform_2, window_bounds = array<i64: 2304, 768>}, {transform_indices = @transform_3, window_bounds = array<i64: 512, 768>}, {transform_indices = @transform_4, window_bounds = array<i64: 512, 2304>}]} {
    %get3A = arith.constant 0 : index
    %get3A_0 = arith.constant 0 : index
    %get3A_1 = vector.load %arg1[%get3A, %get3A_0] : memref<512x768xf32, #tpu.memory_space<vmem>>, vector<512x768xf32>
    %get3A_2 = arith.constant 0 : index
    %get3A_3 = arith.constant 0 : index
    %get3A_4 = vector.load %arg2[%get3A_2, %get3A_3] : memref<512x768xf32, #tpu.memory_space<vmem>>, vector<512x768xf32>
    %add3A = arith.addf %get3A_1, %get3A_4 : vector<512x768xf32>
    %swap3A = arith.constant 0 : index
    %swap3A_5 = arith.constant 0 : index
    %swap3A_6 = vector.load %arg4[%swap3A, %swap3A_5] : memref<512x768xf32, #tpu.memory_space<vmem>>, vector<512x768xf32>
    tpu.vector_store %arg4[%swap3A, %swap3A_5], %add3A {strides = array<i32>} : memref<512x768xf32, #tpu.memory_space<vmem>>, vector<512x768xf32>,
    %reduce_sum3A = arith.constant dense<0.000000e+00> : vector<512xf32>
    %reduce_sum3A_7 = vector.multi_reduction <add>, %add3A, %reduce_sum3A [1] : vector<512x768xf32> to vector<512xf32>
    %broadcast_in_dim3A = vector.shape_cast %reduce_sum3A_7 : vector<512xf32> to vector<512x1xf32>
    %div3A = arith.constant 7.680000e+02 : f32
    %div3A_8 = vector.broadcast %div3A : f32 to vector<512x1xf32>
    %div3A_9 = arith.divf %broadcast_in_dim3A, %div3A_8 : vector<512x1xf32>
    %sub3A = vector.broadcast %div3A_9 : vector<512x1xf32> to vector<512x768xf32>
    %sub3A_10 = arith.subf %add3A, %sub3A : vector<512x768xf32>
    %integer_pow3A = arith.mulf %sub3A_10, %sub3A_10 : vector<512x768xf32>
    %reduce_sum3A_11 = arith.constant dense<0.000000e+00> : vector<512xf32>
    %reduce_sum3A_12 = vector.multi_reduction <add>, %integer_pow3A, %reduce_sum3A_11 [1] : vector<512x768xf32> to vector<512xf32>
    %broadcast_in_dim3A_13 = vector.shape_cast %reduce_sum3A_12 : vector<512xf32> to vector<512x1xf32>
    %div3A_14 = arith.constant 7.680000e+02 : f32
    %div3A_15 = vector.broadcast %div3A_14 : f32 to vector<512x1xf32>
    %div3A_16 = arith.divf %broadcast_in_dim3A_13, %div3A_15 : vector<512x1xf32>
    %sub3A_17 = vector.broadcast %div3A_9 : vector<512x1xf32> to vector<512x768xf32>
    %sub3A_18 = arith.subf %add3A, %sub3A_17 : vector<512x768xf32>
    %add3A_19 = arith.constant 9.99999974E-6 : f32
    %add3A_20 = vector.broadcast %add3A_19 : f32 to vector<512x1xf32>
    %add3A_21 = arith.addf %div3A_16, %add3A_20 : vector<512x1xf32>
    %rsqrt3A = math.rsqrt %add3A_21 : vector<512x1xf32>
    %mul3A = vector.broadcast %rsqrt3A : vector<512x1xf32> to vector<512x768xf32>
    %mul3A_22 = arith.mulf %sub3A_18, %mul3A : vector<512x768xf32>
    %get3A_23 = arith.constant 0 : index
    %get3A_24 = arith.constant 0 : index
    %get3A_25 = vector.load %arg3[%get3A_23, %get3A_24] : memref<2304x768xf32, #tpu.memory_space<vmem>>, vector<2304x768xf32>
    %convert_element_type3A = arith.truncf %mul3A_22 : vector<512x768xf32> to vector<512x768xbf16>
    %convert_element_type3A_26 = arith.truncf %get3A_25 : vector<2304x768xf32> to vector<2304x768xbf16>
    %dot_general3A = arith.constant dense<0.000000e+00> : vector<512x2304xf32>
    %dot_general3A_27 = tpu.matmul %convert_element_type3A, %convert_element_type3A_26, %dot_general3A {dimension_numbers = #tpu.dot_dimension_numbers<[1], [1], [0], [0], [0, 0, 1, 0], [], []>, transpose_lhs_hint = false} : vector<512x768xbf16>, vector<2304x768xbf16>, vector<512x2304xf32> -> vector<512x2304xf32>
    %convert_element_type3A_28 = arith.truncf %dot_general3A_27 : vector<512x2304xf32> to vector<512x2304xbf16>
    %swap3A_29 = arith.constant 0 : index
    %swap3A_30 = arith.constant 0 : index
    %swap3A_31 = vector.load %arg5[%swap3A_29, %swap3A_30] : memref<512x2304xbf16, #tpu.memory_space<vmem>>, vector<512x2304xbf16>
    tpu.vector_store %arg5[%swap3A_29, %swap3A_30], %convert_element_type3A_28 {strides = array<i32>} : memref<512x2304xbf16, #tpu.memory_space<vmem>>, vector<512x2304xbf16>,
    return
  }
  func.func @transform_0(%arg0: i32) -> (i32, i32) {
    %c0_i32 = arith.constant 0 : i32
    %c0_i32_0 = arith.constant 0 : i32
    return %arg0, %c0_i32 : i32, i32
  }
  func.func @transform_1(%arg0: i32) -> (i32, i32) {
    %c0_i32 = arith.constant 0 : i32
    %c0_i32_0 = arith.constant 0 : i32
    return %arg0, %c0_i32 : i32, i32
  }
  func.func @transform_2(%arg0: i32) -> (i32, i32) {
    %c0_i32 = arith.constant 0 : i32
    %c0_i32_0 = arith.constant 0 : i32
    %c0_i32_1 = arith.constant 0 : i32
    return %c0_i32, %c0_i32_0 : i32, i32
  }
  func.func @transform_3(%arg0: i32) -> (i32, i32) {
    %c0_i32 = arith.constant 0 : i32
    %c0_i32_0 = arith.constant 0 : i32
    return %arg0, %c0_i32 : i32, i32
  }
  func.func @transform_4(%arg0: i32) -> (i32, i32) {
    %c0_i32 = arith.constant 0 : i32
    %c0_i32_0 = arith.constant 0 : i32
    return %arg0, %c0_i32 : i32, i32
  }
}

module attributes {stable_mosaic.version = 14 : i64} {
  func.func @_attn_body(%arg0: i32, %arg1: i32, %arg2: memref<512x128xbf16, #tpu.memory_space<vmem>>, %arg3: memref<2048x128xbf16, #tpu.memory_space<vmem>>, %arg4: memref<2048x128xbf16, #tpu.memory_space<vmem>>, %arg5: memref<512x128xbf16, #tpu.memory_space<vmem>>) attributes {dimension_semantics = [#tpu.dimension_semantics<arbitrary>, #tpu.dimension_semantics<arbitrary>], iteration_bounds = array<i64: 6, 4>, scalar_prefetch = 0 : i64, scratch_operands = 0 : i64, tpu.core_type = #tpu.core_type<tc>, window_params = [{transform_indices = @transform_0, window_bounds = array<i64: 512, 128>}, {transform_indices = @transform_1, window_bounds = array<i64: 2048, 128>}, {transform_indices = @transform_2, window_bounds = array<i64: 2048, 128>}, {transform_indices = @transform_3, window_bounds = array<i64: 512, 128>}]} {
    %get3A = arith.constant 0 : index
    %get3A_0 = arith.constant 0 : index
    %get3A_1 = vector.load %arg2[%get3A, %get3A_0] : memref<512x128xbf16, #tpu.memory_space<vmem>>, vector<512x128xbf16>
    %mul3A = arith.constant 1.250000e-01 : bf16
    %mul3A_2 = vector.broadcast %mul3A : bf16 to vector<512x128xbf16>
    %mul3A_3 = arith.mulf %get3A_1, %mul3A_2 : vector<512x128xbf16>
    %iota3A = tpu.iota {dimensions = array<i32: 0>} : vector<512x512xi32>
    %iota3A_4 = tpu.iota {dimensions = array<i32: 1>} : vector<512x512xi32>
    %le3A = arith.cmpi sle, %iota3A_4, %iota3A : vector<512x512xi32>
    %jit3A = arith.constant 0.000000e+00 : f32
    %jit3A_5 = arith.constant -1.000000e+09 : f32
    %broadcast_in_dim3A = vector.broadcast %jit3A : f32 to vector<512x512xf32>
    %broadcast_in_dim3A_6 = vector.broadcast %jit3A_5 : f32 to vector<512x512xf32>
    %select_n3A = arith.select %le3A, %broadcast_in_dim3A, %broadcast_in_dim3A_6 : vector<512x512xi1>, vector<512x512xf32>
    %slice3A = vector.extract_strided_slice %mul3A_3 {offsets = [0, 0], sizes = [512, 64], strides = [1, 1]} : vector<512x128xbf16> to vector<512x64xbf16>
    %slice3A_7 = vector.extract_strided_slice %mul3A_3 {offsets = [0, 64], sizes = [512, 64], strides = [1, 1]} : vector<512x128xbf16> to vector<512x64xbf16>
    %broadcast_in_dim3A_8 = arith.constant 0.000000e+00 : f32
    %broadcast_in_dim3A_9 = vector.broadcast %broadcast_in_dim3A_8 : f32 to vector<512x64xf32>
    %broadcast_in_dim3A_10 = arith.constant 0.000000e+00 : f32
    %broadcast_in_dim3A_11 = vector.broadcast %broadcast_in_dim3A_10 : f32 to vector<512x1xf32>
    %while3A = arith.constant 0 : i32
    %while3A_12 = arith.subi %arg1, %while3A : i32
    %while3A_13 = arith.addi %while3A, %while3A_12 : i32
    %while3A_14 = arith.constant 1 : i32
    %while3A_15 = arith.divsi %while3A_12, %while3A_14 : i32
    %while3A_16 = arith.muli %while3A_15, %while3A_14 : i32
    %while3A_17 = arith.addi %while3A, %while3A_16 : i32
    %while3A_18 = arith.constant 1 : i32
    %while3A_19:4 = scf.for %while3A_61 = %while3A to %while3A_17 step %while3A_18 iter_args(%while3A_62 = %broadcast_in_dim3A_9, %while3A_63 = %broadcast_in_dim3A_9, %while3A_64 = %broadcast_in_dim3A_11, %while3A_65 = %broadcast_in_dim3A_11) -> (vector<512x64xf32>, vector<512x64xf32>, vector<512x1xf32>, vector<512x1xf32>)  : i32 {
      %mul3A_66 = arith.constant 512 : i32
      %mul3A_67 = arith.muli %while3A_61, %mul3A_66 : i32
      %get3A_68 = arith.index_cast %mul3A_67 : i32 to index
      %get3A_69 = arith.constant 0 : index
      %get3A_70 = vector.load %arg3[%get3A_68, %get3A_69] : memref<2048x128xbf16, #tpu.memory_space<vmem>>, vector<512x128xbf16>
      %mul3A_71 = arith.constant 512 : i32
      %mul3A_72 = arith.muli %while3A_61, %mul3A_71 : i32
      %get3A_73 = arith.index_cast %mul3A_72 : i32 to index
      %get3A_74 = arith.constant 0 : index
      %get3A_75 = vector.load %arg4[%get3A_73, %get3A_74] : memref<2048x128xbf16, #tpu.memory_space<vmem>>, vector<512x128xbf16>
      %slice3A_76 = vector.extract_strided_slice %get3A_70 {offsets = [0, 0], sizes = [512, 64], strides = [1, 1]} : vector<512x128xbf16> to vector<512x64xbf16>
      %slice3A_77 = vector.extract_strided_slice %get3A_75 {offsets = [0, 0], sizes = [512, 64], strides = [1, 1]} : vector<512x128xbf16> to vector<512x64xbf16>
      %dot_general3A_78 = arith.constant dense<0.000000e+00> : vector<512x512xf32>
      %dot_general3A_79 = tpu.matmul %slice3A, %slice3A_76, %dot_general3A_78 {dimension_numbers = #tpu.dot_dimension_numbers<[1], [1], [0], [0], [0, 0, 1, 0], [], []>, transpose_lhs_hint = false} : vector<512x64xbf16>, vector<512x64xbf16>, vector<512x512xf32> -> vector<512x512xf32>
      %add3A_80 = arith.constant 0.000000e+00 : f32
      %add3A_81 = vector.broadcast %add3A_80 : f32 to vector<512x512xf32>
      %add3A_82 = arith.addf %dot_general3A_79, %add3A_81 : vector<512x512xf32>
      %exp3A_83 = math.exp %add3A_82 : vector<512x512xf32>
      %reduce_sum3A_84 = arith.constant dense<0.000000e+00> : vector<512xf32>
      %reduce_sum3A_85 = vector.multi_reduction <add>, %exp3A_83, %reduce_sum3A_84 [1] : vector<512x512xf32> to vector<512xf32>
      %broadcast_in_dim3A_86 = vector.shape_cast %reduce_sum3A_85 : vector<512xf32> to vector<512x1xf32>
      %add3A_87 = arith.addf %while3A_64, %broadcast_in_dim3A_86 : vector<512x1xf32>
      %convert_element_type3A_88 = arith.truncf %exp3A_83 : vector<512x512xf32> to vector<512x512xbf16>
      %dot_general3A_89 = arith.constant dense<0.000000e+00> : vector<512x64xf32>
      %dot_general3A_90 = tpu.matmul %convert_element_type3A_88, %slice3A_77, %dot_general3A_89 {dimension_numbers = #tpu.dot_dimension_numbers<[1], [0], [0], [1], [0, 0, 1, 1], [], []>, transpose_lhs_hint = false} : vector<512x512xbf16>, vector<512x64xbf16>, vector<512x64xf32> -> vector<512x64xf32>
      %add3A_91 = arith.addf %while3A_62, %dot_general3A_90 : vector<512x64xf32>
      %slice3A_92 = vector.extract_strided_slice %get3A_70 {offsets = [0, 64], sizes = [512, 64], strides = [1, 1]} : vector<512x128xbf16> to vector<512x64xbf16>
      %slice3A_93 = vector.extract_strided_slice %get3A_75 {offsets = [0, 64], sizes = [512, 64], strides = [1, 1]} : vector<512x128xbf16> to vector<512x64xbf16>
      %dot_general3A_94 = arith.constant dense<0.000000e+00> : vector<512x512xf32>
      %dot_general3A_95 = tpu.matmul %slice3A_7, %slice3A_92, %dot_general3A_94 {dimension_numbers = #tpu.dot_dimension_numbers<[1], [1], [0], [0], [0, 0, 1, 0], [], []>, transpose_lhs_hint = false} : vector<512x64xbf16>, vector<512x64xbf16>, vector<512x512xf32> -> vector<512x512xf32>
      %add3A_96 = arith.constant 0.000000e+00 : f32
      %add3A_97 = vector.broadcast %add3A_96 : f32 to vector<512x512xf32>
      %add3A_98 = arith.addf %dot_general3A_95, %add3A_97 : vector<512x512xf32>
      %exp3A_99 = math.exp %add3A_98 : vector<512x512xf32>
      %reduce_sum3A_100 = arith.constant dense<0.000000e+00> : vector<512xf32>
      %reduce_sum3A_101 = vector.multi_reduction <add>, %exp3A_99, %reduce_sum3A_100 [1] : vector<512x512xf32> to vector<512xf32>
      %broadcast_in_dim3A_102 = vector.shape_cast %reduce_sum3A_101 : vector<512xf32> to vector<512x1xf32>
      %add3A_103 = arith.addf %while3A_65, %broadcast_in_dim3A_102 : vector<512x1xf32>
      %convert_element_type3A_104 = arith.truncf %exp3A_99 : vector<512x512xf32> to vector<512x512xbf16>
      %dot_general3A_105 = arith.constant dense<0.000000e+00> : vector<512x64xf32>
      %dot_general3A_106 = tpu.matmul %convert_element_type3A_104, %slice3A_93, %dot_general3A_105 {dimension_numbers = #tpu.dot_dimension_numbers<[1], [0], [0], [1], [0, 0, 1, 1], [], []>, transpose_lhs_hint = false} : vector<512x512xbf16>, vector<512x64xbf16>, vector<512x64xf32> -> vector<512x64xf32>
      %add3A_107 = arith.addf %while3A_63, %dot_general3A_106 : vector<512x64xf32>
      scf.yield %add3A_91, %add3A_107, %add3A_87, %add3A_103 : vector<512x64xf32>, vector<512x64xf32>, vector<512x1xf32>, vector<512x1xf32>
    }
    %while3A_20 = arith.constant 1 : i32
    %while3A_21:4 = scf.for %while3A_61 = %while3A_17 to %while3A_13 step %while3A_20 iter_args(%while3A_62 = %while3A_19#0, %while3A_63 = %while3A_19#1, %while3A_64 = %while3A_19#2, %while3A_65 = %while3A_19#3) -> (vector<512x64xf32>, vector<512x64xf32>, vector<512x1xf32>, vector<512x1xf32>)  : i32 {
      %mul3A_66 = arith.constant 512 : i32
      %mul3A_67 = arith.muli %while3A_61, %mul3A_66 : i32
      %get3A_68 = arith.index_cast %mul3A_67 : i32 to index
      %get3A_69 = arith.constant 0 : index
      %get3A_70 = vector.load %arg3[%get3A_68, %get3A_69] : memref<2048x128xbf16, #tpu.memory_space<vmem>>, vector<512x128xbf16>
      %mul3A_71 = arith.constant 512 : i32
      %mul3A_72 = arith.muli %while3A_61, %mul3A_71 : i32
      %get3A_73 = arith.index_cast %mul3A_72 : i32 to index
      %get3A_74 = arith.constant 0 : index
      %get3A_75 = vector.load %arg4[%get3A_73, %get3A_74] : memref<2048x128xbf16, #tpu.memory_space<vmem>>, vector<512x128xbf16>
      %slice3A_76 = vector.extract_strided_slice %get3A_70 {offsets = [0, 0], sizes = [512, 64], strides = [1, 1]} : vector<512x128xbf16> to vector<512x64xbf16>
      %slice3A_77 = vector.extract_strided_slice %get3A_75 {offsets = [0, 0], sizes = [512, 64], strides = [1, 1]} : vector<512x128xbf16> to vector<512x64xbf16>
      %dot_general3A_78 = arith.constant dense<0.000000e+00> : vector<512x512xf32>
      %dot_general3A_79 = tpu.matmul %slice3A, %slice3A_76, %dot_general3A_78 {dimension_numbers = #tpu.dot_dimension_numbers<[1], [1], [0], [0], [0, 0, 1, 0], [], []>, transpose_lhs_hint = false} : vector<512x64xbf16>, vector<512x64xbf16>, vector<512x512xf32> -> vector<512x512xf32>
      %add3A_80 = arith.constant 0.000000e+00 : f32
      %add3A_81 = vector.broadcast %add3A_80 : f32 to vector<512x512xf32>
      %add3A_82 = arith.addf %dot_general3A_79, %add3A_81 : vector<512x512xf32>
      %exp3A_83 = math.exp %add3A_82 : vector<512x512xf32>
      %reduce_sum3A_84 = arith.constant dense<0.000000e+00> : vector<512xf32>
      %reduce_sum3A_85 = vector.multi_reduction <add>, %exp3A_83, %reduce_sum3A_84 [1] : vector<512x512xf32> to vector<512xf32>
      %broadcast_in_dim3A_86 = vector.shape_cast %reduce_sum3A_85 : vector<512xf32> to vector<512x1xf32>
      %add3A_87 = arith.addf %while3A_64, %broadcast_in_dim3A_86 : vector<512x1xf32>
      %convert_element_type3A_88 = arith.truncf %exp3A_83 : vector<512x512xf32> to vector<512x512xbf16>
      %dot_general3A_89 = arith.constant dense<0.000000e+00> : vector<512x64xf32>
      %dot_general3A_90 = tpu.matmul %convert_element_type3A_88, %slice3A_77, %dot_general3A_89 {dimension_numbers = #tpu.dot_dimension_numbers<[1], [0], [0], [1], [0, 0, 1, 1], [], []>, transpose_lhs_hint = false} : vector<512x512xbf16>, vector<512x64xbf16>, vector<512x64xf32> -> vector<512x64xf32>
      %add3A_91 = arith.addf %while3A_62, %dot_general3A_90 : vector<512x64xf32>
      %slice3A_92 = vector.extract_strided_slice %get3A_70 {offsets = [0, 64], sizes = [512, 64], strides = [1, 1]} : vector<512x128xbf16> to vector<512x64xbf16>
      %slice3A_93 = vector.extract_strided_slice %get3A_75 {offsets = [0, 64], sizes = [512, 64], strides = [1, 1]} : vector<512x128xbf16> to vector<512x64xbf16>
      %dot_general3A_94 = arith.constant dense<0.000000e+00> : vector<512x512xf32>
      %dot_general3A_95 = tpu.matmul %slice3A_7, %slice3A_92, %dot_general3A_94 {dimension_numbers = #tpu.dot_dimension_numbers<[1], [1], [0], [0], [0, 0, 1, 0], [], []>, transpose_lhs_hint = false} : vector<512x64xbf16>, vector<512x64xbf16>, vector<512x512xf32> -> vector<512x512xf32>
      %add3A_96 = arith.constant 0.000000e+00 : f32
      %add3A_97 = vector.broadcast %add3A_96 : f32 to vector<512x512xf32>
      %add3A_98 = arith.addf %dot_general3A_95, %add3A_97 : vector<512x512xf32>
      %exp3A_99 = math.exp %add3A_98 : vector<512x512xf32>
      %reduce_sum3A_100 = arith.constant dense<0.000000e+00> : vector<512xf32>
      %reduce_sum3A_101 = vector.multi_reduction <add>, %exp3A_99, %reduce_sum3A_100 [1] : vector<512x512xf32> to vector<512xf32>
      %broadcast_in_dim3A_102 = vector.shape_cast %reduce_sum3A_101 : vector<512xf32> to vector<512x1xf32>
      %add3A_103 = arith.addf %while3A_65, %broadcast_in_dim3A_102 : vector<512x1xf32>
      %convert_element_type3A_104 = arith.truncf %exp3A_99 : vector<512x512xf32> to vector<512x512xbf16>
      %dot_general3A_105 = arith.constant dense<0.000000e+00> : vector<512x64xf32>
      %dot_general3A_106 = tpu.matmul %convert_element_type3A_104, %slice3A_93, %dot_general3A_105 {dimension_numbers = #tpu.dot_dimension_numbers<[1], [0], [0], [1], [0, 0, 1, 1], [], []>, transpose_lhs_hint = false} : vector<512x512xbf16>, vector<512x64xbf16>, vector<512x64xf32> -> vector<512x64xf32>
      %add3A_107 = arith.addf %while3A_63, %dot_general3A_106 : vector<512x64xf32>
      scf.yield %add3A_91, %add3A_107, %add3A_87, %add3A_103 : vector<512x64xf32>, vector<512x64xf32>, vector<512x1xf32>, vector<512x1xf32>
    }
    %mul3A_22 = arith.constant 512 : i32
    %mul3A_23 = arith.muli %arg1, %mul3A_22 : i32
    %get3A_24 = arith.index_cast %mul3A_23 : i32 to index
    %get3A_25 = arith.constant 0 : index
    %get3A_26 = vector.load %arg3[%get3A_24, %get3A_25] : memref<2048x128xbf16, #tpu.memory_space<vmem>>, vector<512x128xbf16>
    %mul3A_27 = arith.constant 512 : i32
    %mul3A_28 = arith.muli %arg1, %mul3A_27 : i32
    %get3A_29 = arith.index_cast %mul3A_28 : i32 to index
    %get3A_30 = arith.constant 0 : index
    %get3A_31 = vector.load %arg4[%get3A_29, %get3A_30] : memref<2048x128xbf16, #tpu.memory_space<vmem>>, vector<512x128xbf16>
    %slice3A_32 = vector.extract_strided_slice %get3A_26 {offsets = [0, 0], sizes = [512, 64], strides = [1, 1]} : vector<512x128xbf16> to vector<512x64xbf16>
    %slice3A_33 = vector.extract_strided_slice %get3A_31 {offsets = [0, 0], sizes = [512, 64], strides = [1, 1]} : vector<512x128xbf16> to vector<512x64xbf16>
    %dot_general3A = arith.constant dense<0.000000e+00> : vector<512x512xf32>
    %dot_general3A_34 = tpu.matmul %slice3A, %slice3A_32, %dot_general3A {dimension_numbers = #tpu.dot_dimension_numbers<[1], [1], [0], [0], [0, 0, 1, 0], [], []>, transpose_lhs_hint = false} : vector<512x64xbf16>, vector<512x64xbf16>, vector<512x512xf32> -> vector<512x512xf32>
    %add3A = arith.addf %dot_general3A_34, %select_n3A : vector<512x512xf32>
    %exp3A = math.exp %add3A : vector<512x512xf32>
    %reduce_sum3A = arith.constant dense<0.000000e+00> : vector<512xf32>
    %reduce_sum3A_35 = vector.multi_reduction <add>, %exp3A, %reduce_sum3A [1] : vector<512x512xf32> to vector<512xf32>
    %broadcast_in_dim3A_36 = vector.shape_cast %reduce_sum3A_35 : vector<512xf32> to vector<512x1xf32>
    %add3A_37 = arith.addf %while3A_21#2, %broadcast_in_dim3A_36 : vector<512x1xf32>
    %convert_element_type3A = arith.truncf %exp3A : vector<512x512xf32> to vector<512x512xbf16>
    %dot_general3A_38 = arith.constant dense<0.000000e+00> : vector<512x64xf32>
    %dot_general3A_39 = tpu.matmul %convert_element_type3A, %slice3A_33, %dot_general3A_38 {dimension_numbers = #tpu.dot_dimension_numbers<[1], [0], [0], [1], [0, 0, 1, 1], [], []>, transpose_lhs_hint = false} : vector<512x512xbf16>, vector<512x64xbf16>, vector<512x64xf32> -> vector<512x64xf32>
    %add3A_40 = arith.addf %while3A_21#0, %dot_general3A_39 : vector<512x64xf32>
    %slice3A_41 = vector.extract_strided_slice %get3A_26 {offsets = [0, 64], sizes = [512, 64], strides = [1, 1]} : vector<512x128xbf16> to vector<512x64xbf16>
    %slice3A_42 = vector.extract_strided_slice %get3A_31 {offsets = [0, 64], sizes = [512, 64], strides = [1, 1]} : vector<512x128xbf16> to vector<512x64xbf16>
    %dot_general3A_43 = arith.constant dense<0.000000e+00> : vector<512x512xf32>
    %dot_general3A_44 = tpu.matmul %slice3A_7, %slice3A_41, %dot_general3A_43 {dimension_numbers = #tpu.dot_dimension_numbers<[1], [1], [0], [0], [0, 0, 1, 0], [], []>, transpose_lhs_hint = false} : vector<512x64xbf16>, vector<512x64xbf16>, vector<512x512xf32> -> vector<512x512xf32>
    %add3A_45 = arith.addf %dot_general3A_44, %select_n3A : vector<512x512xf32>
    %exp3A_46 = math.exp %add3A_45 : vector<512x512xf32>
    %reduce_sum3A_47 = arith.constant dense<0.000000e+00> : vector<512xf32>
    %reduce_sum3A_48 = vector.multi_reduction <add>, %exp3A_46, %reduce_sum3A_47 [1] : vector<512x512xf32> to vector<512xf32>
    %broadcast_in_dim3A_49 = vector.shape_cast %reduce_sum3A_48 : vector<512xf32> to vector<512x1xf32>
    %add3A_50 = arith.addf %while3A_21#3, %broadcast_in_dim3A_49 : vector<512x1xf32>
    %convert_element_type3A_51 = arith.truncf %exp3A_46 : vector<512x512xf32> to vector<512x512xbf16>
    %dot_general3A_52 = arith.constant dense<0.000000e+00> : vector<512x64xf32>
    %dot_general3A_53 = tpu.matmul %convert_element_type3A_51, %slice3A_42, %dot_general3A_52 {dimension_numbers = #tpu.dot_dimension_numbers<[1], [0], [0], [1], [0, 0, 1, 1], [], []>, transpose_lhs_hint = false} : vector<512x512xbf16>, vector<512x64xbf16>, vector<512x64xf32> -> vector<512x64xf32>
    %add3A_54 = arith.addf %while3A_21#1, %dot_general3A_53 : vector<512x64xf32>
    %div3A = vector.broadcast %add3A_37 : vector<512x1xf32> to vector<512x64xf32>
    %div3A_55 = arith.divf %add3A_40, %div3A : vector<512x64xf32>
    %div3A_56 = vector.broadcast %add3A_50 : vector<512x1xf32> to vector<512x64xf32>
    %div3A_57 = arith.divf %add3A_54, %div3A_56 : vector<512x64xf32>
    %concatenate3A = tpu.concatenate %div3A_55, %div3A_57 in 1 : vector<512x64xf32>, vector<512x64xf32> -> vector<512x128xf32>
    %convert_element_type3A_58 = arith.truncf %concatenate3A : vector<512x128xf32> to vector<512x128xbf16>
    %swap3A = arith.constant 0 : index
    %swap3A_59 = arith.constant 0 : index
    %swap3A_60 = vector.load %arg5[%swap3A, %swap3A_59] : memref<512x128xbf16, #tpu.memory_space<vmem>>, vector<512x128xbf16>
    tpu.vector_store %arg5[%swap3A, %swap3A_59], %convert_element_type3A_58 {strides = array<i32>} : memref<512x128xbf16, #tpu.memory_space<vmem>>, vector<512x128xbf16>,
    return
  }
  func.func @transform_0(%arg0: i32, %arg1: i32) -> (i32, i32) {
    %c0_i32 = arith.constant 0 : i32
    return %arg1, %arg0 : i32, i32
  }
  func.func @transform_1(%arg0: i32, %arg1: i32) -> (i32, i32) {
    %add3A = arith.constant 6 : i32
    %add3A_0 = arith.addi %add3A, %arg0 : i32
    %c0_i32 = arith.constant 0 : i32
    %c0_i32_1 = arith.constant 0 : i32
    return %c0_i32, %add3A_0 : i32, i32
  }
  func.func @transform_2(%arg0: i32, %arg1: i32) -> (i32, i32) {
    %add3A = arith.constant 12 : i32
    %add3A_0 = arith.addi %add3A, %arg0 : i32
    %c0_i32 = arith.constant 0 : i32
    %c0_i32_1 = arith.constant 0 : i32
    return %c0_i32, %add3A_0 : i32, i32
  }
  func.func @transform_3(%arg0: i32, %arg1: i32) -> (i32, i32) {
    %c0_i32 = arith.constant 0 : i32
    return %arg1, %arg0 : i32, i32
  }
}

module attributes {stable_mosaic.version = 14 : i64} {
  func.func @_router_body(%arg0: i32, %arg1: memref<512x768xf32, #tpu.memory_space<vmem>>, %arg2: memref<512x768xbf16, #tpu.memory_space<vmem>>, %arg3: memref<768x768xf32, #tpu.memory_space<vmem>>, %arg4: memref<2x768xf32, #tpu.memory_space<vmem>>, %arg5: memref<8x768xf32, #tpu.memory_space<vmem>>, %arg6: memref<512x768xf32, #tpu.memory_space<vmem>>, %arg7: memref<512x768xbf16, #tpu.memory_space<vmem>>, %arg8: memref<512x8xf32, #tpu.memory_space<vmem>>) attributes {dimension_semantics = [#tpu.dimension_semantics<arbitrary>], iteration_bounds = array<i64: 4>, scalar_prefetch = 0 : i64, scratch_operands = 0 : i64, tpu.core_type = #tpu.core_type<tc>, window_params = [{transform_indices = @transform_0, window_bounds = array<i64: 512, 768>}, {transform_indices = @transform_1, window_bounds = array<i64: 512, 768>}, {pipeline_mode = #tpu.pipeline_mode<synchronous>, transform_indices = @transform_2, window_bounds = array<i64: 768, 768>}, {pipeline_mode = #tpu.pipeline_mode<synchronous>, transform_indices = @transform_3, window_bounds = array<i64: 2, 768>}, {pipeline_mode = #tpu.pipeline_mode<synchronous>, transform_indices = @transform_4, window_bounds = array<i64: 8, 768>}, {transform_indices = @transform_5, window_bounds = array<i64: 512, 768>}, {transform_indices = @transform_6, window_bounds = array<i64: 512, 768>}, {transform_indices = @transform_7, window_bounds = array<i64: 512, 8>}]} {
    %get3A = arith.constant 0 : index
    %get3A_0 = arith.constant 0 : index
    %get3A_1 = vector.load %arg1[%get3A, %get3A_0] : memref<512x768xf32, #tpu.memory_space<vmem>>, vector<512x768xf32>
    %get3A_2 = arith.constant 0 : index
    %get3A_3 = arith.constant 0 : index
    %get3A_4 = vector.load %arg2[%get3A_2, %get3A_3] : memref<512x768xbf16, #tpu.memory_space<vmem>>, vector<512x768xbf16>
    %get3A_5 = arith.constant 0 : index
    %get3A_6 = arith.constant 0 : index
    %get3A_7 = vector.load %arg3[%get3A_5, %get3A_6] : memref<768x768xf32, #tpu.memory_space<vmem>>, vector<768x768xf32>
    %convert_element_type3A = arith.truncf %get3A_7 : vector<768x768xf32> to vector<768x768xbf16>
    %dot_general3A = arith.constant dense<0.000000e+00> : vector<512x768xf32>
    %dot_general3A_8 = tpu.matmul %get3A_4, %convert_element_type3A, %dot_general3A {dimension_numbers = #tpu.dot_dimension_numbers<[1], [1], [0], [0], [0, 0, 1, 0], [], []>, transpose_lhs_hint = false} : vector<512x768xbf16>, vector<768x768xbf16>, vector<512x768xf32> -> vector<512x768xf32>
    %add3A = arith.addf %get3A_1, %dot_general3A_8 : vector<512x768xf32>
    %swap3A = arith.constant 0 : index
    %swap3A_9 = arith.constant 0 : index
    %swap3A_10 = vector.load %arg6[%swap3A, %swap3A_9] : memref<512x768xf32, #tpu.memory_space<vmem>>, vector<512x768xf32>
    tpu.vector_store %arg6[%swap3A, %swap3A_9], %add3A {strides = array<i32>} : memref<512x768xf32, #tpu.memory_space<vmem>>, vector<512x768xf32>,
    %reduce_sum3A = arith.constant dense<0.000000e+00> : vector<512xf32>
    %reduce_sum3A_11 = vector.multi_reduction <add>, %add3A, %reduce_sum3A [1] : vector<512x768xf32> to vector<512xf32>
    %broadcast_in_dim3A = vector.shape_cast %reduce_sum3A_11 : vector<512xf32> to vector<512x1xf32>
    %div3A = arith.constant 7.680000e+02 : f32
    %div3A_12 = vector.broadcast %div3A : f32 to vector<512x1xf32>
    %div3A_13 = arith.divf %broadcast_in_dim3A, %div3A_12 : vector<512x1xf32>
    %sub3A = vector.broadcast %div3A_13 : vector<512x1xf32> to vector<512x768xf32>
    %sub3A_14 = arith.subf %add3A, %sub3A : vector<512x768xf32>
    %integer_pow3A = arith.mulf %sub3A_14, %sub3A_14 : vector<512x768xf32>
    %reduce_sum3A_15 = arith.constant dense<0.000000e+00> : vector<512xf32>
    %reduce_sum3A_16 = vector.multi_reduction <add>, %integer_pow3A, %reduce_sum3A_15 [1] : vector<512x768xf32> to vector<512xf32>
    %broadcast_in_dim3A_17 = vector.shape_cast %reduce_sum3A_16 : vector<512xf32> to vector<512x1xf32>
    %div3A_18 = arith.constant 7.680000e+02 : f32
    %div3A_19 = vector.broadcast %div3A_18 : f32 to vector<512x1xf32>
    %div3A_20 = arith.divf %broadcast_in_dim3A_17, %div3A_19 : vector<512x1xf32>
    %sub3A_21 = vector.broadcast %div3A_13 : vector<512x1xf32> to vector<512x768xf32>
    %sub3A_22 = arith.subf %add3A, %sub3A_21 : vector<512x768xf32>
    %add3A_23 = arith.constant 9.99999974E-6 : f32
    %add3A_24 = vector.broadcast %add3A_23 : f32 to vector<512x1xf32>
    %add3A_25 = arith.addf %div3A_20, %add3A_24 : vector<512x1xf32>
    %rsqrt3A = math.rsqrt %add3A_25 : vector<512x1xf32>
    %mul3A = vector.broadcast %rsqrt3A : vector<512x1xf32> to vector<512x768xf32>
    %mul3A_26 = arith.mulf %sub3A_22, %mul3A : vector<512x768xf32>
    %convert_element_type3A_27 = arith.truncf %mul3A_26 : vector<512x768xf32> to vector<512x768xbf16>
    %swap3A_28 = arith.constant 0 : index
    %swap3A_29 = arith.constant 0 : index
    %swap3A_30 = vector.load %arg7[%swap3A_28, %swap3A_29] : memref<512x768xbf16, #tpu.memory_space<vmem>>, vector<512x768xbf16>
    tpu.vector_store %arg7[%swap3A_28, %swap3A_29], %convert_element_type3A_27 {strides = array<i32>} : memref<512x768xbf16, #tpu.memory_space<vmem>>, vector<512x768xbf16>,
    %get3A_31 = arith.constant 0 : index
    %get3A_32 = arith.constant 0 : index
    %get3A_33 = vector.load %arg4[%get3A_31, %get3A_32] : memref<2x768xf32, #tpu.memory_space<vmem>>, vector<2x768xf32>
    %dot_general3A_34 = arith.constant dense<0.000000e+00> : vector<512x2xf32>
    %dot_general3A_35 = tpu.matmul %mul3A_26, %get3A_33, %dot_general3A_34 {dimension_numbers = #tpu.dot_dimension_numbers<[1], [1], [0], [0], [0, 0, 1, 0], [], []>, transpose_lhs_hint = false} : vector<512x768xf32>, vector<2x768xf32>, vector<512x2xf32> -> vector<512x2xf32>
    %get3A_36 = arith.constant 0 : index
    %get3A_37 = arith.constant 0 : index
    %get3A_38 = vector.load %arg5[%get3A_36, %get3A_37] : memref<8x768xf32, #tpu.memory_space<vmem>>, vector<8x768xf32>
    %dot_general3A_39 = arith.constant dense<0.000000e+00> : vector<512x8xf32>
    %dot_general3A_40 = tpu.matmul %mul3A_26, %get3A_38, %dot_general3A_39 {dimension_numbers = #tpu.dot_dimension_numbers<[1], [1], [0], [0], [0, 0, 1, 0], [], []>, transpose_lhs_hint = false} : vector<512x768xf32>, vector<8x768xf32>, vector<512x8xf32> -> vector<512x8xf32>
    %exp3A = math.exp %dot_general3A_35 : vector<512x2xf32>
    %reduce_sum3A_41 = arith.constant dense<0.000000e+00> : vector<512xf32>
    %reduce_sum3A_42 = vector.multi_reduction <add>, %exp3A, %reduce_sum3A_41 [1] : vector<512x2xf32> to vector<512xf32>
    %broadcast_in_dim3A_43 = vector.shape_cast %reduce_sum3A_42 : vector<512xf32> to vector<512x1xf32>
    %div3A_44 = vector.broadcast %broadcast_in_dim3A_43 : vector<512x1xf32> to vector<512x2xf32>
    %div3A_45 = arith.divf %exp3A, %div3A_44 : vector<512x2xf32>
    %slice3A = vector.extract_strided_slice %dot_general3A_40 {offsets = [0, 0], sizes = [512, 4], strides = [1, 1]} : vector<512x8xf32> to vector<512x4xf32>
    %slice3A_46 = vector.extract_strided_slice %dot_general3A_40 {offsets = [0, 4], sizes = [512, 4], strides = [1, 1]} : vector<512x8xf32> to vector<512x4xf32>
    %slice3A_47 = vector.extract_strided_slice %div3A_45 {offsets = [0, 0], sizes = [512, 1], strides = [1, 1]} : vector<512x2xf32> to vector<512x1xf32>
    %exp3A_48 = math.exp %slice3A : vector<512x4xf32>
    %reduce_sum3A_49 = arith.constant dense<0.000000e+00> : vector<512xf32>
    %reduce_sum3A_50 = vector.multi_reduction <add>, %exp3A_48, %reduce_sum3A_49 [1] : vector<512x4xf32> to vector<512xf32>
    %broadcast_in_dim3A_51 = vector.shape_cast %reduce_sum3A_50 : vector<512xf32> to vector<512x1xf32>
    %div3A_52 = vector.broadcast %broadcast_in_dim3A_51 : vector<512x1xf32> to vector<512x4xf32>
    %div3A_53 = arith.divf %exp3A_48, %div3A_52 : vector<512x4xf32>
    %mul3A_54 = vector.broadcast %slice3A_47 : vector<512x1xf32> to vector<512x4xf32>
    %mul3A_55 = arith.mulf %mul3A_54, %div3A_53 : vector<512x4xf32>
    %slice3A_56 = vector.extract_strided_slice %div3A_45 {offsets = [0, 1], sizes = [512, 1], strides = [1, 1]} : vector<512x2xf32> to vector<512x1xf32>
    %exp3A_57 = math.exp %slice3A_46 : vector<512x4xf32>
    %reduce_sum3A_58 = arith.constant dense<0.000000e+00> : vector<512xf32>
    %reduce_sum3A_59 = vector.multi_reduction <add>, %exp3A_57, %reduce_sum3A_58 [1] : vector<512x4xf32> to vector<512xf32>
    %broadcast_in_dim3A_60 = vector.shape_cast %reduce_sum3A_59 : vector<512xf32> to vector<512x1xf32>
    %div3A_61 = vector.broadcast %broadcast_in_dim3A_60 : vector<512x1xf32> to vector<512x4xf32>
    %div3A_62 = arith.divf %exp3A_57, %div3A_61 : vector<512x4xf32>
    %mul3A_63 = vector.broadcast %slice3A_56 : vector<512x1xf32> to vector<512x4xf32>
    %mul3A_64 = arith.mulf %mul3A_63, %div3A_62 : vector<512x4xf32>
    %concatenate3A = tpu.concatenate %mul3A_55, %mul3A_64 in 1 : vector<512x4xf32>, vector<512x4xf32> -> vector<512x8xf32>
    %swap3A_65 = arith.constant 0 : index
    %swap3A_66 = arith.constant 0 : index
    %swap3A_67 = vector.load %arg8[%swap3A_65, %swap3A_66] : memref<512x8xf32, #tpu.memory_space<vmem>>, vector<512x8xf32>
    tpu.vector_store %arg8[%swap3A_65, %swap3A_66], %concatenate3A {strides = array<i32>} : memref<512x8xf32, #tpu.memory_space<vmem>>, vector<512x8xf32>,
    return
  }
  func.func @transform_0(%arg0: i32) -> (i32, i32) {
    %c0_i32 = arith.constant 0 : i32
    %c0_i32_0 = arith.constant 0 : i32
    return %arg0, %c0_i32 : i32, i32
  }
  func.func @transform_1(%arg0: i32) -> (i32, i32) {
    %c0_i32 = arith.constant 0 : i32
    %c0_i32_0 = arith.constant 0 : i32
    return %arg0, %c0_i32 : i32, i32
  }
  func.func @transform_2(%arg0: i32) -> (i32, i32) {
    %c0_i32 = arith.constant 0 : i32
    %c0_i32_0 = arith.constant 0 : i32
    %c0_i32_1 = arith.constant 0 : i32
    return %c0_i32, %c0_i32_0 : i32, i32
  }
  func.func @transform_3(%arg0: i32) -> (i32, i32) {
    %c0_i32 = arith.constant 0 : i32
    %c0_i32_0 = arith.constant 0 : i32
    %c0_i32_1 = arith.constant 0 : i32
    return %c0_i32, %c0_i32_0 : i32, i32
  }
  func.func @transform_4(%arg0: i32) -> (i32, i32) {
    %c0_i32 = arith.constant 0 : i32
    %c0_i32_0 = arith.constant 0 : i32
    %c0_i32_1 = arith.constant 0 : i32
    return %c0_i32, %c0_i32_0 : i32, i32
  }
  func.func @transform_5(%arg0: i32) -> (i32, i32) {
    %c0_i32 = arith.constant 0 : i32
    %c0_i32_0 = arith.constant 0 : i32
    return %arg0, %c0_i32 : i32, i32
  }
  func.func @transform_6(%arg0: i32) -> (i32, i32) {
    %c0_i32 = arith.constant 0 : i32
    %c0_i32_0 = arith.constant 0 : i32
    return %arg0, %c0_i32 : i32, i32
  }
  func.func @transform_7(%arg0: i32) -> (i32, i32) {
    %c0_i32 = arith.constant 0 : i32
    %c0_i32_0 = arith.constant 0 : i32
    return %arg0, %c0_i32 : i32, i32
  }
}

module attributes {stable_mosaic.version = 14 : i64} {
  func.func @_experts_body(%arg0: i32, %arg1: memref<2048x768xbf16, #tpu.memory_space<vmem>>, %arg2: memref<2048x8xf32, #tpu.memory_space<vmem>>, %arg3: memref<1x1024x768xf32, #tpu.memory_space<vmem>>, %arg4: memref<1x768x1024xf32, #tpu.memory_space<vmem>>, %arg5: memref<2048x768xf32, #tpu.memory_space<vmem>>) attributes {dimension_semantics = [#tpu.dimension_semantics<arbitrary>], iteration_bounds = array<i64: 8>, scalar_prefetch = 0 : i64, scratch_operands = 0 : i64, tpu.core_type = #tpu.core_type<tc>, window_params = [{pipeline_mode = #tpu.pipeline_mode<synchronous>, transform_indices = @transform_0, window_bounds = array<i64: 2048, 768>}, {pipeline_mode = #tpu.pipeline_mode<synchronous>, transform_indices = @transform_1, window_bounds = array<i64: 2048, 8>}, {transform_indices = @transform_2, window_bounds = array<i64: 1, 1024, 768>}, {transform_indices = @transform_3, window_bounds = array<i64: 1, 768, 1024>}, {pipeline_mode = #tpu.pipeline_mode<synchronous>, transform_indices = @transform_4, window_bounds = array<i64: 2048, 768>}]} {
    %get3A = arith.constant 0 : index
    %get3A_0 = arith.constant 0 : index
    %get3A_1 = vector.load %arg1[%get3A, %get3A_0] : memref<2048x768xbf16, #tpu.memory_space<vmem>>, vector<2048x768xbf16>
    %get3A_2 = arith.constant 0 : index
    %get3A_3 = arith.constant 0 : index
    %get3A_4 = arith.constant 0 : index
    %get3A_5 = vector.load %arg3[%get3A_2, %get3A_3, %get3A_4] : memref<1x1024x768xf32, #tpu.memory_space<vmem>>, vector<1x1024x768xf32>
    %get3A_6 = vector.shape_cast %get3A_5 : vector<1x1024x768xf32> to vector<1024x768xf32>
    %convert_element_type3A = arith.truncf %get3A_6 : vector<1024x768xf32> to vector<1024x768xbf16>
    %dot_general3A = arith.constant dense<0.000000e+00> : vector<2048x1024xf32>
    %dot_general3A_7 = tpu.matmul %get3A_1, %convert_element_type3A, %dot_general3A {dimension_numbers = #tpu.dot_dimension_numbers<[1], [1], [0], [0], [0, 0, 1, 0], [], []>, transpose_lhs_hint = false} : vector<2048x768xbf16>, vector<1024x768xbf16>, vector<2048x1024xf32> -> vector<2048x1024xf32>
    %convert_element_type3A_8 = arith.truncf %dot_general3A_7 : vector<2048x1024xf32> to vector<2048x1024xbf16>
    %integer_pow3A = arith.mulf %convert_element_type3A_8, %convert_element_type3A_8 : vector<2048x1024xbf16>
    %integer_pow3A_9 = arith.mulf %convert_element_type3A_8, %integer_pow3A : vector<2048x1024xbf16>
    %mul3A = arith.constant 4.467770e-02 : bf16
    %mul3A_10 = vector.broadcast %mul3A : bf16 to vector<2048x1024xbf16>
    %mul3A_11 = arith.mulf %mul3A_10, %integer_pow3A_9 : vector<2048x1024xbf16>
    %add3A = arith.addf %convert_element_type3A_8, %mul3A_11 : vector<2048x1024xbf16>
    %mul3A_12 = arith.constant 7.968750e-01 : bf16
    %mul3A_13 = vector.broadcast %mul3A_12 : bf16 to vector<2048x1024xbf16>
    %mul3A_14 = arith.mulf %mul3A_13, %add3A : vector<2048x1024xbf16>
    %tanh3A = math.tanh %mul3A_14 : vector<2048x1024xbf16>
    %add3A_15 = arith.constant 1.000000e+00 : bf16
    %add3A_16 = vector.broadcast %add3A_15 : bf16 to vector<2048x1024xbf16>
    %add3A_17 = arith.addf %add3A_16, %tanh3A : vector<2048x1024xbf16>
    %mul3A_18 = arith.constant 5.000000e-01 : bf16
    %mul3A_19 = vector.broadcast %mul3A_18 : bf16 to vector<2048x1024xbf16>
    %mul3A_20 = arith.mulf %mul3A_19, %add3A_17 : vector<2048x1024xbf16>
    %mul3A_21 = arith.mulf %convert_element_type3A_8, %mul3A_20 : vector<2048x1024xbf16>
    %get3A_22 = arith.constant 0 : index
    %get3A_23 = arith.constant 0 : index
    %get3A_24 = arith.constant 0 : index
    %get3A_25 = vector.load %arg4[%get3A_22, %get3A_23, %get3A_24] : memref<1x768x1024xf32, #tpu.memory_space<vmem>>, vector<1x768x1024xf32>
    %get3A_26 = vector.shape_cast %get3A_25 : vector<1x768x1024xf32> to vector<768x1024xf32>
    %convert_element_type3A_27 = arith.truncf %get3A_26 : vector<768x1024xf32> to vector<768x1024xbf16>
    %dot_general3A_28 = arith.constant dense<0.000000e+00> : vector<2048x768xf32>
    %dot_general3A_29 = tpu.matmul %mul3A_21, %convert_element_type3A_27, %dot_general3A_28 {dimension_numbers = #tpu.dot_dimension_numbers<[1], [1], [0], [0], [0, 0, 1, 0], [], []>, transpose_lhs_hint = false} : vector<2048x1024xbf16>, vector<768x1024xbf16>, vector<2048x768xf32> -> vector<2048x768xf32>
    %iota3A = tpu.iota {dimensions = array<i32: 1>} : vector<2048x8xi32>
    %eq3A = vector.broadcast %arg0 : i32 to vector<2048x8xi32>
    %eq3A_30 = arith.cmpi eq, %iota3A, %eq3A : vector<2048x8xi32>
    %get3A_31 = arith.constant 0 : index
    %get3A_32 = arith.constant 0 : index
    %get3A_33 = vector.load %arg2[%get3A_31, %get3A_32] : memref<2048x8xf32, #tpu.memory_space<vmem>>, vector<2048x8xf32>
    %jit3A = arith.constant 0.000000e+00 : f32
    %broadcast_in_dim3A = vector.broadcast %jit3A : f32 to vector<2048x8xf32>
    %select_n3A = arith.select %eq3A_30, %get3A_33, %broadcast_in_dim3A : vector<2048x8xi1>, vector<2048x8xf32>
    %reduce_sum3A = arith.constant dense<0.000000e+00> : vector<2048xf32>
    %reduce_sum3A_34 = vector.multi_reduction <add>, %select_n3A, %reduce_sum3A [1] : vector<2048x8xf32> to vector<2048xf32>
    %broadcast_in_dim3A_35 = vector.shape_cast %reduce_sum3A_34 : vector<2048xf32> to vector<2048x1xf32>
    %eq3A_36 = arith.constant 0 : i32
    %eq3A_37 = arith.cmpi eq, %arg0, %eq3A_36 : i32
    %convert_element_type3A_38 = arith.extui %eq3A_37 : i1 to i32
    %cond3A = arith.constant 0 : i32
    %cond3A_39 = arith.cmpi ne, %convert_element_type3A_38, %cond3A : i32
    scf.if %cond3A_39 {
      %mul3A_44 = vector.broadcast %broadcast_in_dim3A_35 : vector<2048x1xf32> to vector<2048x768xf32>
      %mul3A_45 = arith.mulf %mul3A_44, %dot_general3A_29 : vector<2048x768xf32>
      %swap3A = arith.constant 0 : index
      %swap3A_46 = arith.constant 0 : index
      %swap3A_47 = vector.load %arg5[%swap3A, %swap3A_46] : memref<2048x768xf32, #tpu.memory_space<vmem>>, vector<2048x768xf32>
      tpu.vector_store %arg5[%swap3A, %swap3A_46], %mul3A_45 {strides = array<i32>} : memref<2048x768xf32, #tpu.memory_space<vmem>>, vector<2048x768xf32>,
    } else {
    }
    %gt3A = arith.constant 0 : i32
    %gt3A_40 = arith.cmpi sgt, %arg0, %gt3A : i32
    %convert_element_type3A_41 = arith.extui %gt3A_40 : i1 to i32
    %cond3A_42 = arith.constant 0 : i32
    %cond3A_43 = arith.cmpi ne, %convert_element_type3A_41, %cond3A_42 : i32
    scf.if %cond3A_43 {
      %get3A_44 = arith.constant 0 : index
      %get3A_45 = arith.constant 0 : index
      %get3A_46 = vector.load %arg5[%get3A_44, %get3A_45] : memref<2048x768xf32, #tpu.memory_space<vmem>>, vector<2048x768xf32>
      %mul3A_47 = vector.broadcast %broadcast_in_dim3A_35 : vector<2048x1xf32> to vector<2048x768xf32>
      %mul3A_48 = arith.mulf %mul3A_47, %dot_general3A_29 : vector<2048x768xf32>
      %add3A_49 = arith.addf %get3A_46, %mul3A_48 : vector<2048x768xf32>
      %swap3A = arith.constant 0 : index
      %swap3A_50 = arith.constant 0 : index
      %swap3A_51 = vector.load %arg5[%swap3A, %swap3A_50] : memref<2048x768xf32, #tpu.memory_space<vmem>>, vector<2048x768xf32>
      tpu.vector_store %arg5[%swap3A, %swap3A_50], %add3A_49 {strides = array<i32>} : memref<2048x768xf32, #tpu.memory_space<vmem>>, vector<2048x768xf32>,
    } else {
    }
    return
  }
  func.func @transform_0(%arg0: i32) -> (i32, i32) {
    %c0_i32 = arith.constant 0 : i32
    %c0_i32_0 = arith.constant 0 : i32
    %c0_i32_1 = arith.constant 0 : i32
    return %c0_i32, %c0_i32_0 : i32, i32
  }
  func.func @transform_1(%arg0: i32) -> (i32, i32) {
    %c0_i32 = arith.constant 0 : i32
    %c0_i32_0 = arith.constant 0 : i32
    %c0_i32_1 = arith.constant 0 : i32
    return %c0_i32, %c0_i32_0 : i32, i32
  }
  func.func @transform_2(%arg0: i32) -> (i32, i32, i32) {
    %c0_i32 = arith.constant 0 : i32
    %c0_i32_0 = arith.constant 0 : i32
    %c0_i32_1 = arith.constant 0 : i32
    return %arg0, %c0_i32, %c0_i32_0 : i32, i32, i32
  }
  func.func @transform_3(%arg0: i32) -> (i32, i32, i32) {
    %c0_i32 = arith.constant 0 : i32
    %c0_i32_0 = arith.constant 0 : i32
    %c0_i32_1 = arith.constant 0 : i32
    return %arg0, %c0_i32, %c0_i32_0 : i32, i32, i32
  }
  func.func @transform_4(%arg0: i32) -> (i32, i32) {
    %c0_i32 = arith.constant 0 : i32
    %c0_i32_0 = arith.constant 0 : i32
    %c0_i32_1 = arith.constant 0 : i32
    return %c0_i32, %c0_i32_0 : i32, i32
  }
}

module attributes {stable_mosaic.version = 14 : i64} {
  func.func @_lnmean_add_body(%arg0: i32, %arg1: memref<2048x768xf32, #tpu.memory_space<vmem>>, %arg2: memref<2048x768xf32, #tpu.memory_space<vmem>>, %arg3: memref<1x768xf32, #tpu.memory_space<vmem>>) attributes {dimension_semantics = [#tpu.dimension_semantics<arbitrary>], iteration_bounds = array<i64: 1>, scalar_prefetch = 0 : i64, scratch_operands = 0 : i64, tpu.core_type = #tpu.core_type<tc>, window_params = [{pipeline_mode = #tpu.pipeline_mode<synchronous>, transform_indices = @transform_0, window_bounds = array<i64: 2048, 768>}, {pipeline_mode = #tpu.pipeline_mode<synchronous>, transform_indices = @transform_1, window_bounds = array<i64: 2048, 768>}, {pipeline_mode = #tpu.pipeline_mode<synchronous>, transform_indices = @transform_2, window_bounds = array<i64: 1, 768>}]} {
    %get3A = arith.constant 0 : index
    %get3A_0 = arith.constant 0 : index
    %get3A_1 = vector.load %arg1[%get3A, %get3A_0] : memref<2048x768xf32, #tpu.memory_space<vmem>>, vector<2048x768xf32>
    %get3A_2 = arith.constant 0 : index
    %get3A_3 = arith.constant 0 : index
    %get3A_4 = vector.load %arg2[%get3A_2, %get3A_3] : memref<2048x768xf32, #tpu.memory_space<vmem>>, vector<2048x768xf32>
    %add3A = arith.addf %get3A_1, %get3A_4 : vector<2048x768xf32>
    %reduce_sum3A = arith.constant dense<0.000000e+00> : vector<2048xf32>
    %reduce_sum3A_5 = vector.multi_reduction <add>, %add3A, %reduce_sum3A [1] : vector<2048x768xf32> to vector<2048xf32>
    %broadcast_in_dim3A = vector.shape_cast %reduce_sum3A_5 : vector<2048xf32> to vector<2048x1xf32>
    %div3A = arith.constant 7.680000e+02 : f32
    %div3A_6 = vector.broadcast %div3A : f32 to vector<2048x1xf32>
    %div3A_7 = arith.divf %broadcast_in_dim3A, %div3A_6 : vector<2048x1xf32>
    %sub3A = vector.broadcast %div3A_7 : vector<2048x1xf32> to vector<2048x768xf32>
    %sub3A_8 = arith.subf %add3A, %sub3A : vector<2048x768xf32>
    %integer_pow3A = arith.mulf %sub3A_8, %sub3A_8 : vector<2048x768xf32>
    %reduce_sum3A_9 = arith.constant dense<0.000000e+00> : vector<2048xf32>
    %reduce_sum3A_10 = vector.multi_reduction <add>, %integer_pow3A, %reduce_sum3A_9 [1] : vector<2048x768xf32> to vector<2048xf32>
    %broadcast_in_dim3A_11 = vector.shape_cast %reduce_sum3A_10 : vector<2048xf32> to vector<2048x1xf32>
    %div3A_12 = arith.constant 7.680000e+02 : f32
    %div3A_13 = vector.broadcast %div3A_12 : f32 to vector<2048x1xf32>
    %div3A_14 = arith.divf %broadcast_in_dim3A_11, %div3A_13 : vector<2048x1xf32>
    %sub3A_15 = vector.broadcast %div3A_7 : vector<2048x1xf32> to vector<2048x768xf32>
    %sub3A_16 = arith.subf %add3A, %sub3A_15 : vector<2048x768xf32>
    %add3A_17 = arith.constant 9.99999974E-6 : f32
    %add3A_18 = vector.broadcast %add3A_17 : f32 to vector<2048x1xf32>
    %add3A_19 = arith.addf %div3A_14, %add3A_18 : vector<2048x1xf32>
    %rsqrt3A = math.rsqrt %add3A_19 : vector<2048x1xf32>
    %mul3A = vector.broadcast %rsqrt3A : vector<2048x1xf32> to vector<2048x768xf32>
    %mul3A_20 = arith.mulf %sub3A_16, %mul3A : vector<2048x768xf32>
    %reduce_sum3A_21 = arith.constant dense<0.000000e+00> : vector<768xf32>
    %reduce_sum3A_22 = vector.multi_reduction <add>, %mul3A_20, %reduce_sum3A_21 [0] : vector<2048x768xf32> to vector<768xf32>
    %broadcast_in_dim3A_23 = vector.shape_cast %reduce_sum3A_22 : vector<768xf32> to vector<1x768xf32>
    %div3A_24 = arith.constant 2.048000e+03 : f32
    %div3A_25 = vector.broadcast %div3A_24 : f32 to vector<1x768xf32>
    %div3A_26 = arith.divf %broadcast_in_dim3A_23, %div3A_25 : vector<1x768xf32>
    %swap3A = arith.constant 0 : index
    %swap3A_27 = arith.constant 0 : index
    %swap3A_28 = vector.load %arg3[%swap3A, %swap3A_27] : memref<1x768xf32, #tpu.memory_space<vmem>>, vector<1x768xf32>
    tpu.vector_store %arg3[%swap3A, %swap3A_27], %div3A_26 {strides = array<i32>} : memref<1x768xf32, #tpu.memory_space<vmem>>, vector<1x768xf32>,
    return
  }
  func.func @transform_0(%arg0: i32) -> (i32, i32) {
    %c0_i32 = arith.constant 0 : i32
    %c0_i32_0 = arith.constant 0 : i32
    %c0_i32_1 = arith.constant 0 : i32
    return %c0_i32, %c0_i32_0 : i32, i32
  }
  func.func @transform_1(%arg0: i32) -> (i32, i32) {
    %c0_i32 = arith.constant 0 : i32
    %c0_i32_0 = arith.constant 0 : i32
    %c0_i32_1 = arith.constant 0 : i32
    return %c0_i32, %c0_i32_0 : i32, i32
  }
  func.func @transform_2(%arg0: i32) -> (i32, i32) {
    %c0_i32 = arith.constant 0 : i32
    %c0_i32_0 = arith.constant 0 : i32
    %c0_i32_1 = arith.constant 0 : i32
    return %c0_i32, %c0_i32_0 : i32, i32
  }
}

module attributes {stable_mosaic.version = 14 : i64} {
  func.func @_head_body(%arg0: i32, %arg1: memref<1x768xf32, #tpu.memory_space<vmem>>, %arg2: memref<3200x768xf32, #tpu.memory_space<vmem>>, %arg3: memref<1x3200xf32, #tpu.memory_space<vmem>>) attributes {dimension_semantics = [#tpu.dimension_semantics<arbitrary>], iteration_bounds = array<i64: 10>, scalar_prefetch = 0 : i64, scratch_operands = 0 : i64, tpu.core_type = #tpu.core_type<tc>, window_params = [{pipeline_mode = #tpu.pipeline_mode<synchronous>, transform_indices = @transform_0, window_bounds = array<i64: 1, 768>}, {transform_indices = @transform_1, window_bounds = array<i64: 3200, 768>}, {transform_indices = @transform_2, window_bounds = array<i64: 1, 3200>}]} {
    %get3A = arith.constant 0 : index
    %get3A_0 = arith.constant 0 : index
    %get3A_1 = vector.load %arg1[%get3A, %get3A_0] : memref<1x768xf32, #tpu.memory_space<vmem>>, vector<1x768xf32>
    %get3A_2 = arith.constant 0 : index
    %get3A_3 = arith.constant 0 : index
    %get3A_4 = vector.load %arg2[%get3A_2, %get3A_3] : memref<3200x768xf32, #tpu.memory_space<vmem>>, vector<3200x768xf32>
    %dot_general3A = arith.constant dense<0.000000e+00> : vector<1x3200xf32>
    %dot_general3A_5 = tpu.matmul %get3A_1, %get3A_4, %dot_general3A {dimension_numbers = #tpu.dot_dimension_numbers<[1], [1], [0], [0], [0, 0, 1, 0], [], []>, transpose_lhs_hint = false} : vector<1x768xf32>, vector<3200x768xf32>, vector<1x3200xf32> -> vector<1x3200xf32>
    %swap3A = arith.constant 0 : index
    %swap3A_6 = arith.constant 0 : index
    %swap3A_7 = vector.load %arg3[%swap3A, %swap3A_6] : memref<1x3200xf32, #tpu.memory_space<vmem>>, vector<1x3200xf32>
    tpu.vector_store %arg3[%swap3A, %swap3A_6], %dot_general3A_5 {strides = array<i32>} : memref<1x3200xf32, #tpu.memory_space<vmem>>, vector<1x3200xf32>,
    return
  }
  func.func @transform_0(%arg0: i32) -> (i32, i32) {
    %c0_i32 = arith.constant 0 : i32
    %c0_i32_0 = arith.constant 0 : i32
    %c0_i32_1 = arith.constant 0 : i32
    return %c0_i32, %c0_i32_0 : i32, i32
  }
  func.func @transform_1(%arg0: i32) -> (i32, i32) {
    %c0_i32 = arith.constant 0 : i32
    %c0_i32_0 = arith.constant 0 : i32
    return %arg0, %c0_i32 : i32, i32
  }
  func.func @transform_2(%arg0: i32) -> (i32, i32) {
    %c0_i32 = arith.constant 0 : i32
    %c0_i32_0 = arith.constant 0 : i32
    return %c0_i32, %arg0 : i32, i32
  }
}

</mosaic_0001>

<sc_bundles>
// kernel: kernel.13.cloned.1.call-start
scs
__scs_entry_jumppad:
0x0: {  	(pc) =	sbr.rel $0x88, $3  }
0x1: {  	(tag) =	ssettag $0x0;
	lr =	simm.s32 $0x1  }
0x2: {  	[smem:$0x3F97] =	sst lr;
	_ =	strace $0xD0000000  }
0x3: {  	_ = 	snop  }
0x4: {  	_ = 	snop  }
0x5: {  	_ = 	snop  }
0x6: {  	_ = 	snop  }
0x7: {  	_ = 	snop  }
__scs_overlays_trampoline_lowered:
0x8: {  	[smem:$0x3FA6] =	sst s0  }
0x9: {  	[smem:$0x3FA7] =	sst s1  }
0xa: {  	[smem:$0x3FA8] =	sst s2  }
0xb: {  	[smem:$0x3FA9] =	sst s3  }
0xc: {  	[smem:$0x3FAA] =	sst s4  }
0xd: {  	[smem:$0x3FAB] =	sst s5  }
0xe: {  	[smem:$0x3FAC] =	sst s6  }
0xf: {  	[smem:$0x3FAD] =	sst s7  }
0x10: {  	[smem:$0x3FAE] =	sst s8  }
0x11: {  	[smem:$0x3FAF] =	sst s9;
	s0 =	simm.s32 @!p0 $0x0  }
0x12: {  	s1 =	sld [smem:$0x3F95];
	s0 =	simm.s32 @p0 $0x1  }
0x13: {  	[smem:$0x3FB0] =	sst s0;
	s0 =	simm.s32 @!p1 $0x0  }
0x14: {  	s2 =	sld [smem:$0x3F94];
	s0 =	simm.s32 @p1 $0x1  }
0x15: {  	[smem:$0x3FB1] =	sst s0;
	s0 =	simm.s32 @!p2 $0x0  }
0x16: {  	s3 =	sld [smem:$0x3FDB];
	s0 =	simm.s32 @p2 $0x1  }
0x17: {  	s4 =	simm.s32 $0x1BF5;
	[smem:$0x3FB3] =	sst s0  }
0x18: {  	s0 =	sld [smem:$0x3F96];
	_ =	swait.ge [sflag:s4], $0x0  }
0x19: {  	s7 =	sld [smem:$0x3F97]  }
0x1a: {  	s8 =	sadd.s32 $0xFFFFE003, lr  }
0x1b: {  	s9 =	sadd.s32 $0xFFFFFEF7, lr;
	s5 =	simm.s32 $0xFFFFFFFF;
	p2 =	slt.u32 s8, $0xFFFFF086  }
0x1c: {  	p1 =	slt.u32 s9, $0xF7A;
	s5 =	simm.s32 @!p2 $0x0  }
0x1d: {  	s5 =	simm.s32 @p1 $0x1;
	p0 =	seq.s32 s7, s2  }
0x1e: {  	s7 =	smul.u32 @!p0 $0xF7A, s2;
	p2 =	seq.s32 @!p0 s5, $0x0  }
0x1f: {  	s9 =	smul.u32 $0xF7A, s1;
	s8 =	simm.s32 @!p0 $0x1BF5;
	p2 =	por !p2, p0  }
0x20: {  	[sflag:s8] =	ssyncset.s32 @!p0 $0xFFFFF086;
	s6 =	sadd.s32 @!p0 s3, s7;
	s7 =	simm.s32 @!p0 $0x108  }
0x21: {  	s3 =	sadd.s32 s3, s9;
	s6 =	sadd.s32 @!p0 $0x88, s6;
	s7 =	simm.s32 @p2 $0x1082  }
0x22: {  	[simem:s7], [sflag:s8] =	dma.local @!p0 [hbm:s6], $0xF7A  }
0x23: {  	s9 =	sor.u32 $0xD0000000, s2;
	s6 =	simm.s32 $0x108;
	_ =	swait.ge @!p0 [sflag:s8], $0x0  }
0x24: {  	s3 =	sadd.s32 $0x88, s3;
	s6 =	simm.s32 @!p1 $0x1082;
	[sflag:s4] =	ssyncset.s32 $0xFFFFF086  }
0x25: {  	[simem:s6], [sflag:s4] =	dma.local [hbm:s3], $0xF7A  }
0x26: {  	[smem:$0x3F97] =	sst s1;
	(tag) =	ssettag s2;
	_ =	strace s9  }
0x27: {  	s1 =	sld [smem:$0x3FA7]  }
0x28: {  	s2 =	sld [smem:$0x3FA8]  }
0x29: {  	s4 =	sld [smem:$0x3FAA]  }
0x2a: {  	p0 =	seq.s32 s5, $0x0;
	s5 =	sld [smem:$0x3FAB]  }
0x2b: {  	s6 =	sld [smem:$0x3FAC]  }
0x2c: {  	s7 =	sld [smem:$0x3FAD]  }
0x2d: {  	s3 =	simm.s32 $0x108;
	s8 =	sld [smem:$0x3FAE]  }
0x2e: {  	s3 =	simm.s32 @!p0 $0x1082;
	s9 =	sld [smem:$0x3FAF]  }
0x2f: {  	lr =	sadd.s32 s0, s3;
	s0 =	sld [smem:$0x3FA6]  }
0x30: {  	s3 =	sld [smem:$0x3FA9]  }
0x31: {  	[smem:$0x3FB2] =	sst s10  }
0x32: {  	s10 =	sld [smem:$0x3FB0];
	_ =	sdelay $0x3  }
0x33: {  	p0 =	seq.s32 s10, $0x1;
	s10 =	sld [smem:$0x3FB2];
	_ =	sdelay $0x3  }
0x34: {  	[smem:$0x3FB2] =	sst s10  }
0x35: {  	s10 =	sld [smem:$0x3FB1];
	_ =	sdelay $0x3  }
0x36: {  	p1 =	seq.s32 s10, $0x1;
	s10 =	sld [smem:$0x3FB2];
	_ =	sdelay $0x3  }
0x37: {  	[smem:$0x3FB2] =	sst s10  }
0x38: {  	s10 =	sld [smem:$0x3FB3]  }
0x39: {  	_ = 	snop;
	(pc) =	sbr.ind lr, $3  }
0x3a: {  	_ = 	snop  }
0x3b: {  	_ = 	snop  }
0x3c: {  	p2 =	seq.s32 s10, $0x1;
	s10 =	sld [smem:$0x3FB2]  }
0x3d: {  	_ =	shalt  }
0x3e: {  	_ =	shalt  }
0x3f: {  	_ =	shalt  }
0x40: {  	_ =	shalt  }
0x41: {  	_ =	shalt  }
0x42: {  	_ =	shalt  }
0x43: {  	_ =	shalt  }
0x44: {  	_ =	shalt  }
0x45: {  	_ =	shalt  }
0x46: {  	_ =	shalt  }
0x47: {  	_ =	shalt  }
0x48: {  	_ =	shalt  }
0x49: {  	_ =	shalt  }
0x4a: {  	_ =	shalt  }
0x4b: {  	_ =	shalt  }
0x4c: {  	_ =	shalt  }
0x4d: {  	_ =	shalt  }
0x4e: {  	_ =	shalt  }
0x4f: {  	_ =	shalt  }
0x50: {  	_ =	shalt  }
0x51: {  	_ =	shalt  }
0x52: {  	_ =	shalt  }
0x53: {  	_ =	shalt  }
0x54: {  	_ =	shalt  }
0x55: {  	_ =	shalt  }
0x56: {  	_ =	shalt  }
0x57: {  	_ =	shalt  }
0x58: {  	_ =	shalt  }
0x59: {  	_ =	shalt  }
0x5a: {  	_ =	shalt  }
0x5b: {  	_ =	shalt  }
0x5c: {  	_ =	shalt  }
0x5d: {  	_ =	shalt  }
0x5e: {  	_ =	shalt  }
0x5f: {  	_ =	shalt  }
0x60: {  	_ =	shalt  }
0x61: {  	_ =	shalt  }
0x62: {  	_ =	shalt  }
0x63: {  	_ =	shalt  }
0x64: {  	_ =	shalt  }
0x65: {  	_ =	shalt  }
0x66: {  	_ =	shalt  }
0x67: {  	_ =	shalt  }
0x68: {  	_ =	shalt  }
0x69: {  	_ =	shalt  }
0x6a: {  	_ =	shalt  }
0x6b: {  	_ =	shalt  }
0x6c: {  	_ =	shalt  }
0x6d: {  	_ =	shalt  }
0x6e: {  	_ =	shalt  }
0x6f: {  	_ =	shalt  }
0x70: {  	_ =	shalt  }
0x71: {  	_ =	shalt  }
0x72: {  	_ =	shalt  }
0x73: {  	_ =	shalt  }
0x74: {  	_ =	shalt  }
0x75: {  	_ =	shalt  }
0x76: {  	_ =	shalt  }
0x77: {  	_ =	shalt  }
0x78: {  	_ =	shalt  }
0x79: {  	_ =	shalt  }
0x7a: {  	_ =	shalt  }
0x7b: {  	_ =	shalt  }
0x7c: {  	_ =	shalt  }
0x7d: {  	_ =	shalt  }
0x7e: {  	_ =	shalt  }
0x7f: {  	_ =	shalt  }
0x80: {  	_ =	shalt  }
0x81: {  	_ =	shalt  }
0x82: {  	_ =	shalt  }
0x83: {  	_ =	shalt  }
0x84: {  	_ =	shalt  }
0x85: {  	_ =	shalt  }
0x86: {  	_ =	shalt  }
0x87: {  	_ =	shalt  }
.Lfunc_end0:
.L_simem_size_0:
called_computation_lowered:
.L_overlay_start_0:
0x88: {  	s2 =	sld [smem:$0x3FD9]  }
0x89: {  	s3 =	sld [smem:$0x3FFE];
	_ =	sdelay $0x1  }
0x8a: {  	s1 =	srdreg.scid  }
0x8b: {  	s0 =	sand.u32 $0x1, s1  }
0x8c: {  	s17 =	sshll.u32 s0, $0xA;
	s2 =	sadd.s32 s3, s2  }
0x8d: {  	s2 =	sadd.s32 s2, s17  }
0x8e: {  	[smem:$0x3FBE] =	sst s2  }
0x8f: {  	_ = 	snop  }
0x90: {  	s2 =	sld [smem:$0x3FC9]  }
0x91: {  	s18 =	sld [smem:$0x3FC0];
	(tm) =	ssettm $0x1  }
0x92: {  	s4 =	sld [smem:$0x3FFB];
	_ =	sdelay $0x3  }
0x93: {  	_ =	strace s4  }
0x94: {  	s4 =	sld [smem:$0x3FFC];
	_ =	sdelay $0x3  }
0x95: {  	_ =	strace s4  }
0x96: {  	s4 =	sld [smem:$0x3FFD];
	_ =	sdelay $0x3  }
0x97: {  	_ =	strace s4  }
0x98: {  	_ =	strace $0x8FFFFFFF  }
0x99: {  	s19 =	sld [smem:$0x3FDB];
	_ =	sdelay $0x1  }
0x9a: {  	s5 =	simm.s32 $_scs_section_size  }
0x9b: {  	s6 =	simm.s32 $_size__tile_overlayer_lowered;
	s7 =	simm.s32 $_tile_overlayer_lowered  }
0x9c: {  	s22 =	simm.s32 $0x1BFF;
	s21 =	sshll.u32 s7, $0x1;
	s4 =	sadd.s32 s5, s19  }
0x9d: {  	s8 =	simm.s32 $0x0;
	s20 =	sshll.u32 s6, $0x1;
	s6 =	sadd.s32 s21, s4  }
0x9e: {  	[timem:s8], [sflag:s22] =	dma.local [hbm:s6], s20  }
0x9f: {  	_ =	swait.ge [sflag:s22], s20  }
0xa0: {  	s5 =	ssub.s32 $0x0, s20;
	[sflag:s22] =	ssyncset.done $0x0  }
0xa1: {  	[sflag:s22] =	ssyncadd.s32 s5;
	_ =	sdelay $0x1  }
0xa2: {  	s23 =	simm.s32 $0x1B8B  }
0xa3: {  	_ =	swait.ge [sflag:s23], $0x1  }
0xa4: {  	[sflag:s23] =	ssyncset.done $0x0  }
0xa5: {  	s25 =	simm.s32 $0x1B8E;
	s24 =	sld [smem:$0x3FFE];
	[sflag:s23] =	ssyncadd.s32 $0xFFFFFFFF  }
0xa6: {  	s26 =	simm.s32 $execute0_lowered;
	[smem:$0x3FD2] =	sst s25  }
0xa7: {  	s6 =	sshll.u32 s26, $0x1;
	_ =	strace $0x80000046;
	[dreg:$0x1] =	wrdreg $0xFFFFFFFF  }
0xa8: {  	s28 =	simm.s32 $_size_execute0_lowered;
	s4 =	sadd.s32 s4, s6;
	[dreg:$0x0] =	wrdreg $0x0  }
0xa9: {  	s6 =	sshll.u32 s28, $0x1;
	[dreg:$0x2] =	wrdreg s4  }
0xaa: {  	[dreg:$0x3] =	wrdreg s6  }
0xab: {  	[dreg:$0x4] =	wrdreg $0xC0  }
0xac: {  	_ =	task [dreg:s8], $0x5FFFF  }
0xad: {  	[dreg:$0x1] =	wrdreg $0xFFFFFFFF  }
0xae: {  	[dreg:$0x0] =	wrdreg $0x60  }
0xaf: {  	[dreg:$0x2] =	wrdreg s2  }
0xb0: {  	[dreg:$0x3] =	wrdreg s18  }
0xb1: {  	[dreg:$0x4] =	wrdreg s24  }
0xb2: {  	[dreg:$0x5] =	wrdreg $0x9  }
0xb3: {  	_ =	task.clear_ibuf [dreg:s8], $0x6FFFF;
	_ =	strace $0x90000046  }
0xb4: {  	s29 =	simm.s32 $0x9;
	_ =	strace $0x80000048  }
0xb5: {  	_ =	swait.ge [sflag:s29], $0x1  }
0xb6: {  	[sflag:s29] =	ssyncadd.s32 $0xFFFFFFFF  }
0xb7: {  	_ =	strace $0x90000048  }
0xb8: {  	_ =	sfence  }
0xb9: {  	s30 =	sld [smem:$0x0];
	_ =	sdelay $0x2  }
0xba: {  	s31 =	sshll.u32 s1, $0xD;
	s1 =	sshrl.u32 s1, $0x2  }
0xbb: {  	s3 =	sand.u32 $0x4000, s31;
	s1 =	sadd.s32 s1, s30  }
0xbc: {  	s0 =	sor.u32 s3, s0;
	s1 =	sshll.u32 s1, $0x11  }
0xbd: {  	s0 =	sor.u32 s1, s0  }
0xbe: {  	s0 =	sadd.s32 $0x8F2B, s0  }
0xbf: {  	[sflag:s0] =	ssyncadd.remote.s32 $0x1  }
0xc0: {  	_ =	sfence.sel $0xFFFF  }
0xc1: {  	[dreg:$0x0] =	wrdreg $0xFFFFFFFF;
	(pc) =	sbr.abs _section_cstart, $3  }
0xc2: {  	[dreg:$0x1] =	wrdreg $0xFFFFFFFF  }
0xc3: {  	_ =	task.clear_ibuf [dreg:s8], $0x2FFFF;
	_ =	strace $0x9FFFFFFF  }
0xc4: {  	(tm) =	ssettm $0x7FFFFFFF  }
0xc5: {  	_ =	shalt  }
tec
execute0_lowered:
.L_overlay_start_1:
0x0: {  	(tag) =	ssettag $0x1  }
0x1: {  	s1 =	rddreg [dreg:$0x0]  }
0x2: {  	s2 =	srdreg.scid;
	s4 =	rddreg [dreg:$0x1]  }
0x3: {  	s0 =	stileid.u32;
	s5 =	rddreg [dreg:$0x2];
	s3 =	simm.s32 $0x0  }
0x4: {  	s26 =	simm.s32 $0x880;
	s9 =	simm.s32 $0x1080;
	s10 =	simm.s32 $0x1880  }
0x5: {  	s11 =	simm.s32 $0x2080;
	s12 =	simm.s32 $0x2880;
	s13 =	simm.s32 $0x3080  }
0x6: {  	s14 =	simm.s32 $0x3880;
	s15 =	simm.s32 $0x4080;
	s16 =	simm.s32 $0x4880  }
0x7: {  	s17 =	simm.s32 $0x5080;
	s18 =	simm.s32 $0x5880;
	s19 =	simm.s32 $0x6080  }
0x8: {  	s20 =	simm.s32 $0x6880;
	s21 =	simm.s32 $0x7080;
	s22 =	simm.s32 $0x7880  }
0x9: {  	s23 =	simm.s32 $0x8080;
	s24 =	simm.s32 $0x8880;
	s28 =	simm.s32 $0xA080  }
0xa: {  	s29 =	simm.s32 $0xA880;
	s30 =	simm.s32 $0xB080;
	s31 =	simm.s32 $0xB880  }
0xb: {  	s2 =	sand.u32 $0x1, s2;
	s6 =	sshll.u32 s0, $0x4;
	[smem:$0x7FF] =	sst s3  }
0xc: {  	s7 =	sshll.u32 s2, $0x3;
	s2 =	ssub.s32 $0x2, s2;
	_ =	strace $0x80000047  }
0xd: {  	[dreg:$0x6] =	wrdreg s26;
	s26 =	simm.s32 $0x9880;
	s6 =	sor.u32 s7, s6  }
0xe: {  	s8 =	sshrl.u32 s2, $0x1;
	s7 =	smul.u32 $0x300, s6;
	s4 =	sadd.s32 s4, s6  }
0xf: {  	s2 =	ssub.s32 s2, s8;
	s8 =	simm.s32 $0x80;
	[dreg:$0x4] =	wrdreg s4  }
0x10: {  	v2 =	vlaneseq.u32;
	s4 =	sadd.s32 $0x100, s1;
	s6 =	smax.u32 s2, $0x1;
	s5 =	sadd.s32 s7, s5  }
0x11: {  	vm0 =	vmmov $0xffff;
	v1 =	vshrl.u32 v2, $0x3;
	s2 =	simm.s32 $0x1;
	s7 =	simm.s32 $0x2;
	s25 =	sadd.s32 $0x5000, s5  }
0x12: {  	v0 =	vand.u32 $0x7, v2;
	v2 =	vor.u32 $0x8, v2;
	v1 =	vmul.u32 $0x8, v1;
	s5 =	sadd.s32 $0x200, s1;
	[dreg:$0x5] =	wrdreg s25;
	s25 =	simm.s32 $0x9080  }
.LBB2_1:
0x13: {  	s0 =	rddreg [dreg:$0x4]  }
0x14: {  	[tilespmem:s3], [sflag:$0x2] =	stream.linear.gather [hbm4b:s0+s3], $0x40, $0x38;
	[tilespmem:$0xC080] =	vst v63  }
0x15: {  	_ =	swait.ge [sflag:s7], $0x40  }
0x16: {  	[sflag:s7] =	ssyncset.done $0x0  }
0x17: {  	[sflag:s7] =	ssyncadd.s32 $0xFFFFFFC0  }
0x18: {  	v3 =	vld [tilespmem:$0x0];
	_ =	sdelay $0x4  }
0x19: {  	v4 =	vshrl.u32 v3, $0x3  }
0x1a: {  	v4 =	vmul.u32 $0x30, v4  }
0x1b: {  	v3 =	vand.u32 $0x7, v3  }
0x1c: {  	v3 =	vor.u32 v3, v4  }
0x1d: {  	v4 =	vperm.xlane v3, v0;
	_ =	sdelay $0x1  }
0x1e: {  	v4 =	vadd.s32 v1, v4;
	_ =	sdelay $0x3  }
0x1f: {  	v3 =	vperm.xlane v3, v2  }
0x20: {  	[tilespmem:s8], [sflag:$0x1] =	stream.indirect_vreg.gather [hbm4b:s1+s3], $0x80, v4, vm0, $0xb8;
	[tilespmem:$0xC080] =	vst v63  }
0x21: {  	s0 =	rddreg [dreg:$0x6];
	v3 =	vadd.s32 v1, v3  }
0x22: {  	[tilespmem:s0], [sflag:$0x1] =	stream.indirect_vreg.gather [hbm4b:s4+s3], $0x80, v4, vm0, $0xb8;
	[tilespmem:$0xC080] =	vst v63  }
0x23: {  	_ = 	snop  }
0x24: {  	[tilespmem:s9], [sflag:$0x1] =	stream.indirect_vreg.gather [hbm4b:s5+s3], $0x80, v4, vm0, $0xb8;
	[tilespmem:$0xC080] =	vst v63  }
0x25: {  	_ = 	snop  }
0x26: {  	[tilespmem:s10], [sflag:$0x1] =	stream.indirect_vreg.gather [hbm4b:s1+s3], $0x80, v3, vm0, $0xb8;
	[tilespmem:$0xC080] =	vst v63  }
0x27: {  	_ = 	snop  }
0x28: {  	[tilespmem:s11], [sflag:$0x1] =	stream.indirect_vreg.gather [hbm4b:s4+s3], $0x80, v3, vm0, $0xb8;
	[tilespmem:$0xC080] =	vst v63  }
0x29: {  	_ = 	snop  }
0x2a: {  	[tilespmem:s12], [sflag:$0x1] =	stream.indirect_vreg.gather [hbm4b:s5+s3], $0x80, v3, vm0, $0xb8;
	[tilespmem:$0xC080] =	vst v63  }
0x2b: {  	v3 =	vld [tilespmem:$0x10];
	_ =	sdelay $0x4  }
0x2c: {  	v61 =	vshrl.u32 v3, $0x3  }
0x2d: {  	v4 =	vmul.u32 $0x30, v61  }
0x2e: {  	v3 =	vand.u32 $0x7, v3  }
0x2f: {  	v3 =	vor.u32 v3, v4  }
0x30: {  	v4 =	vperm.xlane v3, v0;
	_ =	sdelay $0x1  }
0x31: {  	v4 =	vadd.s32 v1, v4;
	_ =	sdelay $0x3  }
0x32: {  	v3 =	vperm.xlane v3, v2  }
0x33: {  	[tilespmem:s13], [sflag:$0x1] =	stream.indirect_vreg.gather [hbm4b:s1+s3], $0x80, v4, vm0, $0xb8;
	[tilespmem:$0xC080] =	vst v63  }
0x34: {  	v3 =	vadd.s32 v1, v3  }
0x35: {  	[tilespmem:s14], [sflag:$0x1] =	stream.indirect_vreg.gather [hbm4b:s4+s3], $0x80, v4, vm0, $0xb8;
	[tilespmem:$0xC080] =	vst v63  }
0x36: {  	_ = 	snop  }
0x37: {  	[tilespmem:s15], [sflag:$0x1] =	stream.indirect_vreg.gather [hbm4b:s5+s3], $0x80, v4, vm0, $0xb8;
	[tilespmem:$0xC080] =	vst v63  }
0x38: {  	_ = 	snop  }
0x39: {  	[tilespmem:s16], [sflag:$0x1] =	stream.indirect_vreg.gather [hbm4b:s1+s3], $0x80, v3, vm0, $0xb8;
	[tilespmem:$0xC080] =	vst v63  }
0x3a: {  	_ = 	snop  }
0x3b: {  	[tilespmem:s17], [sflag:$0x1] =	stream.indirect_vreg.gather [hbm4b:s4+s3], $0x80, v3, vm0, $0xb8;
	[tilespmem:$0xC080] =	vst v63  }
0x3c: {  	_ = 	snop  }
0x3d: {  	[tilespmem:s18], [sflag:$0x1] =	stream.indirect_vreg.gather [hbm4b:s5+s3], $0x80, v3, vm0, $0xb8;
	[tilespmem:$0xC080] =	vst v63  }
0x3e: {  	v3 =	vld [tilespmem:$0x20];
	_ =	sdelay $0x4  }
0x3f: {  	v62 =	vshrl.u32 v3, $0x3  }
0x40: {  	v4 =	vmul.u32 $0x30, v62  }
0x41: {  	v3 =	vand.u32 $0x7, v3  }
0x42: {  	v3 =	vor.u32 v3, v4  }
0x43: {  	v4 =	vperm.xlane v3, v0;
	_ =	sdelay $0x1  }
0x44: {  	v4 =	vadd.s32 v1, v4;
	_ =	sdelay $0x3  }
0x45: {  	v3 =	vperm.xlane v3, v2  }
0x46: {  	[tilespmem:s19], [sflag:$0x1] =	stream.indirect_vreg.gather [hbm4b:s1+s3], $0x80, v4, vm0, $0xb8;
	[tilespmem:$0xC080] =	vst v63  }
0x47: {  	v3 =	vadd.s32 v1, v3  }
0x48: {  	[tilespmem:s20], [sflag:$0x1] =	stream.indirect_vreg.gather [hbm4b:s4+s3], $0x80, v4, vm0, $0xb8;
	[tilespmem:$0xC080] =	vst v63  }
0x49: {  	_ = 	snop  }
0x4a: {  	[tilespmem:s21], [sflag:$0x1] =	stream.indirect_vreg.gather [hbm4b:s5+s3], $0x80, v4, vm0, $0xb8;
	[tilespmem:$0xC080] =	vst v63  }
0x4b: {  	_ = 	snop  }
0x4c: {  	[tilespmem:s22], [sflag:$0x1] =	stream.indirect_vreg.gather [hbm4b:s1+s3], $0x80, v3, vm0, $0xb8;
	[tilespmem:$0xC080] =	vst v63  }
0x4d: {  	_ = 	snop  }
0x4e: {  	[tilespmem:s23], [sflag:$0x1] =	stream.indirect_vreg.gather [hbm4b:s4+s3], $0x80, v3, vm0, $0xb8;
	[tilespmem:$0xC080] =	vst v63  }
0x4f: {  	_ = 	snop  }
0x50: {  	[tilespmem:s24], [sflag:$0x1] =	stream.indirect_vreg.gather [hbm4b:s5+s3], $0x80, v3, vm0, $0xb8;
	[tilespmem:$0xC080] =	vst v63  }
0x51: {  	v3 =	vld [tilespmem:$0x30];
	_ =	sdelay $0x4  }
0x52: {  	v63 =	vshrl.u32 v3, $0x3  }
0x53: {  	v4 =	vmul.u32 $0x30, v63  }
0x54: {  	v3 =	vand.u32 $0x7, v3  }
0x55: {  	v3 =	vor.u32 v3, v4  }
0x56: {  	v4 =	vperm.xlane v3, v0;
	_ =	sdelay $0x1  }
0x57: {  	v4 =	vadd.s32 v1, v4;
	_ =	sdelay $0x3  }
0x58: {  	v3 =	vperm.xlane v3, v2  }
0x59: {  	[tilespmem:s25], [sflag:$0x1] =	stream.indirect_vreg.gather [hbm4b:s1+s3], $0x80, v4, vm0, $0xb8;
	[tilespmem:$0xC080] =	vst v63  }
0x5a: {  	v3 =	vadd.s32 v1, v3  }
0x5b: {  	[tilespmem:s26], [sflag:$0x1] =	stream.indirect_vreg.gather [hbm4b:s4+s3], $0x80, v4, vm0, $0xb8;
	[tilespmem:$0xC080] =	vst v63  }
0x5c: {  	_ = 	snop  }
0x5d: {  	[tilespmem:s28], [sflag:$0x1] =	stream.indirect_vreg.gather [hbm4b:s5+s3], $0x80, v4, vm0, $0xb8;
	[tilespmem:$0xC080] =	vst v63  }
0x5e: {  	_ = 	snop  }
0x5f: {  	[tilespmem:s29], [sflag:$0x1] =	stream.indirect_vreg.gather [hbm4b:s1+s3], $0x80, v3, vm0, $0xb8;
	[tilespmem:$0xC080] =	vst v63  }
0x60: {  	_ = 	snop  }
0x61: {  	[tilespmem:s30], [sflag:$0x1] =	stream.indirect_vreg.gather [hbm4b:s4+s3], $0x80, v3, vm0, $0xb8;
	[tilespmem:$0xC080] =	vst v63  }
0x62: {  	_ = 	snop  }
0x63: {  	[tilespmem:s31], [sflag:$0x1] =	stream.indirect_vreg.gather [hbm4b:s5+s3], $0x80, v3, vm0, $0xb8;
	[tilespmem:$0xC080] =	vst v63  }
0x64: {  	_ =	swait.ge [sflag:s2], $0xC000  }
0x65: {  	p0 =	sne.s32 s6, $0x1;
	[sflag:s2] =	ssyncset.done $0x0  }
.Ltmp0:
0x66: {  	s0 =	rddreg [dreg:$0x5];
	[sflag:s2] =	ssyncadd.s32 $0xFFFF4000;
	(pc) =	sbr.rel @p0 .LBB2_1-.Ltmp0, $4  }
0x67: {  	[hbm4b:s0+s3] =	stream.linear.scatter [tilespmem:s8], [sflag:$0x2], $0xC000, $0x38;
	[tilespmem:$0xC080] =	vst v63  }
0x68: {  	_ =	swait.ge [sflag:s7], $0xC000  }
0x69: {  	[sflag:s7] =	ssyncset.done $0x0  }
0x6a: {  	s6 =	sadd.s32 $0xFFFFFFFF, s6;
	[sflag:s7] =	ssyncadd.s32 $0xFFFF4000  }
0x6b: {  	_ =	sfence.sel $0x180000  }
0x6c: {  	[bflag:$0x0] =	sbarrier.arrive $0xFFFF  }
0x6d: {  	_ =	strace $0x90000047  }
0x6e: {  	s0 =	stileid.u32;
	[bflag:$0x2] =	sbarrier.arrive $0xFFFF  }
0x6f: {  	p0 =	sne.s32 s0, $0x0;
	s0 =	rddreg [dreg:$0x3]  }
0x70: {  	s0 =	sadd.s32 @!p0 $0x100000, s0  }
0x71: {  	[sflag:s0] =	ssyncadd.tile.s32 @!p0 $0x1;
	_ =	shalt  }
.Lfunc_end2:
_tile_overlayer_lowered:
.L_overlay_start_2:
0x72: {  	(tag) =	ssettag $0x2  }
0x73: {  	s0 =	rddreg [dreg:$0x0];
	s2 =	stileid.u32  }
0x74: {  	s1 =	rddreg [dreg:$0x1];
	p0 =	sne.s32 s2, $0x0  }
0x75: {  	s3 =	rddreg [dreg:$0x2];
	[bflag:$0x3] =	sbarrier.arrive $0xFFFF;
	s2 =	simm.s32 @!p0 $0x1C02  }
0x76: {  	[timem:s3], [sflag:s2] =	dma.local @!p0 [hbm:s0], s1  }
0x77: {  	s0 =	simm.s32 @!p0 $0x2  }
0x78: {  	_ =	swait.ge @!p0 [sflag:s0], s1  }
0x79: {  	s1 =	ssub.s32 @!p0 $0x0, s1;
	[sflag:s0] =	ssyncset.done @!p0 $0x0  }
0x7a: {  	[sflag:s0] =	ssyncadd.s32 @!p0 s1  }
0x7b: {  	[bflag:$0x3] =	sbarrier.arrive $0xFFFF  }
0x7c: {  	_ =	shalt  }

</sc_bundles>
